<compile_context>
chip_gen: v7x
topology: tpu7x:2x2x1
jax: 0.10.2.dev20260603
libtpu: 0.0.44.dev20260713+nightly
codegen_flags: <defaults>
</compile_context>

<pallas_src>
import functools

import jax
import jax.numpy as jnp
from jax import lax
from jax.experimental import pallas as pl
from jax.experimental.pallas import tpu as pltpu
from jax.experimental.pallas import tpu_sc as plsc

_CODEBOOK = 1024
_DIM = 64
_SLOTS = 1024
_BATCH = 16
_CHUNKB = 8
_R = 1024
_HALVES = _SLOTS // _R
_GC = _CHUNKB * _HALVES
_BETA = 0.25

_NC = 2
_NS = 16
_L = 16
_DG = 4
_DPW = _DIM // _DG


def _argmin_body(xt_ref, emb_ref, idx_ref, loss_ref):
    xt = xt_ref[...].reshape(_DIM, _R)
    sx = jnp.sum(xt * xt, axis=0, keepdims=True)
    tt = lax.dot_general(emb_ref[...], xt, (((1,), (0,)), ((), ())),
                         preferred_element_type=jnp.float32)
    se = jnp.sum(emb_ref[...] ** 2, axis=1, keepdims=True)
    d = (sx - 2.0 * tt) + se
    m = jnp.min(d, axis=0, keepdims=True)
    codes = lax.broadcasted_iota(jnp.int32, d.shape, 0)
    idx = jnp.min(jnp.where(d == m, codes, _CODEBOOK), axis=0,
                  keepdims=True)
    idx_ref[...] = idx.reshape(1, 1, _R)
    loss_ref[...] = jnp.sum(m).reshape(1, 1, 1)


def _vq_body(xt_ref, emb_ref, embt_ref, idx_ref, out_ref, loss_ref):
    xt = xt_ref[...].reshape(_DIM, _R)
    sx = jnp.sum(xt * xt, axis=0, keepdims=True)
    tt = lax.dot_general(emb_ref[...], xt, (((1,), (0,)), ((), ())),
                         preferred_element_type=jnp.float32)
    se = jnp.sum(emb_ref[...] ** 2, axis=1, keepdims=True)
    d = (sx - 2.0 * tt) + se
    m = jnp.min(d, axis=0, keepdims=True)
    codes = lax.broadcasted_iota(jnp.int32, d.shape, 0)
    idx = jnp.min(jnp.where(d == m, codes, _CODEBOOK), axis=0,
                  keepdims=True)
    idx_ref[...] = idx.reshape(1, 1, _R)
    onehot = (codes == idx).astype(jnp.float32)
    zqt = lax.dot_general(embt_ref[...], onehot, (((1,), (0,)), ((), ())),
                          preferred_element_type=jnp.float32)
    out_ref[...] = (xt + (zqt - xt)).reshape(1, _DIM, _R)
    loss_ref[...] = jnp.sum(m).reshape(1, 1, 1)


def _tc_vq(xt, e, et, b0):
    return pl.pallas_call(
        _vq_body,
        grid=(_GC,),
        in_specs=[
            pl.BlockSpec((1, _DIM, _R),
                         lambda i: (b0 + i // _HALVES, 0, i % _HALVES)),
            pl.BlockSpec((_CODEBOOK, _DIM), lambda i: (0, 0)),
            pl.BlockSpec((_DIM, _CODEBOOK), lambda i: (0, 0)),
        ],
        out_specs=[
            pl.BlockSpec((1, 1, _R), lambda i: (i // _HALVES, 0, i % _HALVES)),
            pl.BlockSpec((1, _DIM, _R),
                         lambda i: (i // _HALVES, 0, i % _HALVES)),
            pl.BlockSpec((1, 1, 1), lambda i: (i, 0, 0)),
        ],
        out_shape=[
            jax.ShapeDtypeStruct((_CHUNKB, 1, _SLOTS), jnp.int32),
            jax.ShapeDtypeStruct((_CHUNKB, _DIM, _SLOTS), jnp.float32),
            jax.ShapeDtypeStruct((_GC, 1, 1), jnp.float32),
        ],
        compiler_params=pltpu.CompilerParams(
            dimension_semantics=("parallel",)),
    )(xt, e, et)


def _tc_argmin(xt, e, b0):
    return pl.pallas_call(
        _argmin_body,
        grid=(_GC,),
        in_specs=[
            pl.BlockSpec((1, _DIM, _R),
                         lambda i: (b0 + i // _HALVES, 0, i % _HALVES)),
            pl.BlockSpec((_CODEBOOK, _DIM), lambda i: (0, 0)),
        ],
        out_specs=[
            pl.BlockSpec((1, 1, _R), lambda i: (i // _HALVES, 0, i % _HALVES)),
            pl.BlockSpec((1, 1, 1), lambda i: (i, 0, 0)),
        ],
        out_shape=[
            jax.ShapeDtypeStruct((_CHUNKB, 1, _SLOTS), jnp.int32),
            jax.ShapeDtypeStruct((_GC, 1, 1), jnp.float32),
        ],
        compiler_params=pltpu.CompilerParams(
            dimension_semantics=("parallel",)),
    )(xt, e)


def _sc_gather_body(embt_hbm, idx_hbm, out_hbm, idx_v, embt_v, out_v):
    wid = lax.axis_index("s") * _NC + lax.axis_index("c")
    b = wid // _DG
    dg = wid % _DG
    pltpu.sync_copy(idx_hbm.at[pl.ds(b * _SLOTS, _SLOTS)], idx_v)
    pltpu.sync_copy(embt_hbm.at[pl.ds(dg * _DPW, _DPW), :], embt_v)

    @pl.loop(0, _SLOTS // _L)
    def _(k):
        idx16 = idx_v[pl.ds(k * _L, _L)]
        for dd in range(_DPW):
            row = jnp.full((_L,), dd, jnp.int32)
            out_v[dd, pl.ds(k * _L, _L)] = plsc.load_gather(
                embt_v, [row, idx16])

    pltpu.sync_copy(out_v, out_hbm.at[b, pl.ds(dg * _DPW, _DPW), :])


@functools.cache
def _sc_gather_t():
    return pl.kernel(
        _sc_gather_body,
        out_type=jax.ShapeDtypeStruct((_CHUNKB, _DIM, _SLOTS), jnp.float32),
        mesh=plsc.VectorSubcoreMesh(core_axis_name="c", subcore_axis_name="s",
                                    num_cores=_NC, num_subcores=_NS),
        scratch_types=[
            pltpu.VMEM((_SLOTS,), jnp.int32),
            pltpu.VMEM((_DPW, _CODEBOOK), jnp.float32),
            pltpu.VMEM((_DPW, _SLOTS), jnp.float32),
        ],
        compiler_params=pltpu.CompilerParams(use_tc_tiling_on_sc=True,
                                             needs_layout_passes=False),
    )


def kernel(z_e, emb):
    bsz, num_slots, code_dim = z_e.shape
    xt = lax.transpose(z_e.astype(jnp.float32), (0, 2, 1))
    e = emb.astype(jnp.float32)
    et = e.T

    idx_a, loss_a = _tc_argmin(xt, e, 0)
    out_a = _sc_gather_t()(et, idx_a.reshape(_CHUNKB * _SLOTS))
    idx_b, out_b, loss_b = _tc_vq(xt, e, et, _CHUNKB)

    idx3 = jnp.concatenate([idx_a, idx_b], axis=0)
    out_t = jnp.concatenate([out_a, out_b], axis=0)
    loss = ((jnp.sum(loss_a) + jnp.sum(loss_b))
            * ((1.0 + _BETA) / float(_BATCH * _SLOTS * _DIM)))

    return (lax.transpose(out_t, (0, 2, 1)),
            idx3.reshape(bsz, num_slots),
            loss)

# --- scband reference (transcript-rebuilt; emitter-appended) ---
"""Pipeline reference for scband-vector-quantizer1-d-52493090291935 (READ-ONLY COPY).

The authoritative reference and input builder live on the scoring server;
editing this copy changes nothing except your own understanding.
"""

import jax, jax.numpy as jnp
import numpy as np

CODEBOOK_SIZE = 1024
CODE_DIM = 64
BETA = 0.25


def setup_inputs(seed: int = 0) -> dict:
    key = jax.random.key(seed)
    k1, k2 = jax.random.split(key)
    z_e = jax.random.normal(k1, (16, 1024, CODE_DIM), dtype=jnp.float32)
    emb = jax.random.uniform(k2, (CODEBOOK_SIZE, CODE_DIM), dtype=jnp.float32,
                             minval=-1.0 / CODEBOOK_SIZE, maxval=1.0 / CODEBOOK_SIZE)
    return {"z_e": z_e, "emb": emb}


def reference(z_e, emb):
    bsz, num_slots, code_dim = z_e.shape
    flat = z_e.reshape(-1, code_dim).astype(jnp.float32)
    e = emb.astype(jnp.float32)
    distances = (jnp.sum(flat ** 2, axis=1, keepdims=True)
                 - 2.0 * flat @ e.T
                 + jnp.sum(e ** 2, axis=1, keepdims=True).T)
    indices = jnp.argmin(distances, axis=1)
    z_q = jnp.take(emb, indices, axis=0).reshape(bsz, num_slots, code_dim)
    codebook_loss = jnp.mean((z_q.astype(jnp.float32) - jax.lax.stop_gradient(z_e).astype(jnp.float32)) ** 2)
    commit_loss = jnp.mean((z_e.astype(jnp.float32) - jax.lax.stop_gradient(z_q).astype(jnp.float32)) ** 2)
    vq_loss = codebook_loss + BETA * commit_loss
    z_q_st = z_e + jax.lax.stop_gradient(z_q - z_e)
    return (z_q_st, indices.reshape(bsz, num_slots), vq_loss)

if __name__ == "__main__":
    import jax
    _d = setup_inputs()
    print(jax.jit(kernel)(*tuple(_d.values())))

</pallas_src>

<mosaic_0001>
#map = affine_map<(d0, d1) -> (0, 0)>
#map1 = affine_map<(d0, d1) -> (0)>
#map2 = affine_map<(d0, d1) -> (0, 0, 0)>
module attributes {stable_mosaic.version = 14 : i64} {
  func.func @_sc_gather_body(%arg0: i32, %arg1: i32, %arg2: memref<64x1024xf32, #tpu.memory_space<hbm>>, %arg3: memref<8192xi32, #tpu.memory_space<hbm>>, %arg4: memref<8x64x1024xf32, #tpu.memory_space<hbm>>, %arg5: memref<1024xi32, #tpu.memory_space<vmem>>, %arg6: memref<16x1024xf32, #tpu.memory_space<vmem>>, %arg7: memref<16x1024xf32, #tpu.memory_space<vmem>>) attributes {dimension_semantics = [#tpu.dimension_semantics<core_parallel>, #tpu.dimension_semantics<subcore_parallel>], iteration_bounds = array<i64: 2, 16>, scalar_prefetch = 0 : i64, scratch_operands = 3 : i64, tpu.core_type = #tpu.core_type<sc_vector_subcore>, window_params = [{transform_indices = #map}, {transform_indices = #map1}, {transform_indices = #map2}]} {
    %mul3A = arith.constant 2 : i32
    %mul3A_0 = arith.muli %arg1, %mul3A : i32
    %add3A = arith.addi %mul3A_0, %arg0 : i32
    %jit3A = arith.constant 4 : i32
    %div3A = arith.divsi %add3A, %jit3A : i32
    %sign3A = arith.constant 0 : i32
    %sign3A_1 = arith.cmpi sgt, %add3A, %sign3A : i32
    %sign3A_2 = arith.extui %sign3A_1 : i1 to i32
    %sign3A_3 = arith.constant 0 : i32
    %sign3A_4 = arith.cmpi slt, %add3A, %sign3A_3 : i32
    %sign3A_5 = arith.extui %sign3A_4 : i1 to i32
    %sign3A_6 = arith.subi %sign3A_2, %sign3A_5 : i32
    %sign3A_7 = arith.constant 0 : i32
    %sign3A_8 = arith.cmpi sgt, %jit3A, %sign3A_7 : i32
    %sign3A_9 = arith.extui %sign3A_8 : i1 to i32
    %sign3A_10 = arith.constant 0 : i32
    %sign3A_11 = arith.cmpi slt, %jit3A, %sign3A_10 : i32
    %sign3A_12 = arith.extui %sign3A_11 : i1 to i32
    %sign3A_13 = arith.subi %sign3A_9, %sign3A_12 : i32
    %ne3A = arith.cmpi ne, %sign3A_6, %sign3A_13 : i32
    %rem3A = arith.remsi %add3A, %jit3A : i32
    %ne3A_14 = arith.constant 0 : i32
    %ne3A_15 = arith.cmpi ne, %rem3A, %ne3A_14 : i32
    %and3A = arith.andi %ne3A, %ne3A_15 : i1
    %sub3A = arith.constant 1 : i32
    %sub3A_16 = arith.subi %div3A, %sub3A : i32
    %select_n3A = arith.select %and3A, %sub3A_16, %div3A : i32
    %jit3A_17 = arith.constant 4 : i32
    %eq3A = arith.constant 0 : i32
    %eq3A_18 = arith.cmpi eq, %jit3A_17, %eq3A : i32
    %jit3A_19 = arith.constant 1 : i32
    %select_n3A_20 = arith.select %eq3A_18, %jit3A_19, %jit3A_17 : i32
    %rem3A_21 = arith.remsi %add3A, %select_n3A_20 : i32
    %ne3A_22 = arith.constant 0 : i32
    %ne3A_23 = arith.cmpi ne, %rem3A_21, %ne3A_22 : i32
    %lt3A = arith.constant 0 : i32
    %lt3A_24 = arith.cmpi slt, %rem3A_21, %lt3A : i32
    %lt3A_25 = arith.constant 0 : i32
    %lt3A_26 = arith.cmpi slt, %select_n3A_20, %lt3A_25 : i32
    %ne3A_27 = arith.xori %lt3A_24, %lt3A_26 : i1
    %and3A_28 = arith.andi %ne3A_27, %ne3A_23 : i1
    %add3A_29 = arith.addi %rem3A_21, %select_n3A_20 : i32
    %select_n3A_30 = arith.select %and3A_28, %add3A_29, %rem3A_21 : i32
    %mul3A_31 = arith.constant 1024 : i32
    %mul3A_32 = arith.muli %select_n3A, %mul3A_31 : i32
    "tpu.region"() ({
      %run_scoped3A = tpu.sem_alloc : memref<!tpu.dma_semaphore, #tpu.memory_space<semaphore_mem>>
      %dma_start3A = tpu.memref_slice %arg3[%mul3A_32] : memref<8192xi32, #tpu.memory_space<hbm>> -> memref<1024xi32, #tpu.memory_space<hbm>>
      %dma_start3A_41 = tpu.memref_slice %arg3[%mul3A_32] : memref<8192xi32, #tpu.memory_space<hbm>> -> memref<1024xi32, #tpu.memory_space<hbm>>
      tpu.enqueue_dma source(%dma_start3A_41 : memref<1024xi32, #tpu.memory_space<hbm>>) target(%arg5 : memref<1024xi32, #tpu.memory_space<vmem>>) target_semaphore(%run_scoped3A : memref<!tpu.dma_semaphore, #tpu.memory_space<semaphore_mem>>)
      %dma_wait3A = tpu.memref_slice %arg3[%mul3A_32] : memref<8192xi32, #tpu.memory_space<hbm>> -> memref<1024xi32, #tpu.memory_space<hbm>>
      %dma_wait3A_42 = tpu.memref_slice %arg3[%mul3A_32] : memref<8192xi32, #tpu.memory_space<hbm>> -> memref<1024xi32, #tpu.memory_space<hbm>>
      tpu.wait_dma2 semaphore(%run_scoped3A : memref<!tpu.dma_semaphore, #tpu.memory_space<semaphore_mem>>) src(%dma_wait3A_42 : memref<1024xi32, #tpu.memory_space<hbm>>) dst(%arg5 : memref<1024xi32, #tpu.memory_space<vmem>>)
      tpu.yield
    }) : () -> ()
    %mul3A_33 = arith.constant 16 : i32
    %mul3A_34 = arith.muli %select_n3A_30, %mul3A_33 : i32
    "tpu.region"() ({
      %run_scoped3A = tpu.sem_alloc : memref<!tpu.dma_semaphore, #tpu.memory_space<semaphore_mem>>
      %dma_start3A = arith.constant 0 : i32
      %dma_start3A_41 = tpu.memref_slice %arg2[%mul3A_34, %dma_start3A] : memref<64x1024xf32, #tpu.memory_space<hbm>> -> memref<16x1024xf32, #tpu.memory_space<hbm>>
      %dma_start3A_42 = arith.constant 0 : i32
      %dma_start3A_43 = tpu.memref_slice %arg2[%mul3A_34, %dma_start3A_42] : memref<64x1024xf32, #tpu.memory_space<hbm>> -> memref<16x1024xf32, #tpu.memory_space<hbm>>
      tpu.enqueue_dma source(%dma_start3A_43 : memref<16x1024xf32, #tpu.memory_space<hbm>>) target(%arg6 : memref<16x1024xf32, #tpu.memory_space<vmem>>) target_semaphore(%run_scoped3A : memref<!tpu.dma_semaphore, #tpu.memory_space<semaphore_mem>>)
      %dma_wait3A = arith.constant 0 : i32
      %dma_wait3A_44 = tpu.memref_slice %arg2[%mul3A_34, %dma_wait3A] : memref<64x1024xf32, #tpu.memory_space<hbm>> -> memref<16x1024xf32, #tpu.memory_space<hbm>>
      %dma_wait3A_45 = arith.constant 0 : i32
      %dma_wait3A_46 = tpu.memref_slice %arg2[%mul3A_34, %dma_wait3A_45] : memref<64x1024xf32, #tpu.memory_space<hbm>> -> memref<16x1024xf32, #tpu.memory_space<hbm>>
      tpu.wait_dma2 semaphore(%run_scoped3A : memref<!tpu.dma_semaphore, #tpu.memory_space<semaphore_mem>>) src(%dma_wait3A_46 : memref<16x1024xf32, #tpu.memory_space<hbm>>) dst(%arg6 : memref<16x1024xf32, #tpu.memory_space<vmem>>)
      tpu.yield
    }) : () -> ()
    %scan3A = arith.constant 0 : i32
    %scan3A_35 = arith.constant 64 : i32
    %scan3A_36 = arith.addi %scan3A, %scan3A_35 : i32
    %scan3A_37 = arith.constant 1 : i32
    scf.for %scan3A_41 = %scan3A to %scan3A_36 step %scan3A_37  : i32 {
      %mul3A_42 = arith.constant 1 : i32
      %mul3A_43 = arith.muli %scan3A_41, %mul3A_42 : i32
      %add3A_44 = arith.constant 0 : i32
      %add3A_45 = arith.addi %add3A_44, %mul3A_43 : i32
      %mul3A_46 = arith.constant 16 : i32
      %mul3A_47 = arith.muli %add3A_45, %mul3A_46 : i32
      %get3A = arith.index_cast %mul3A_47 : i32 to index
      %get3A_48 = tpu.vector_load %arg5[%get3A] {strides = array<i32>} : memref<1024xi32, #tpu.memory_space<vmem>>, vector<16xi32>,
      %broadcast_in_dim3A = arith.constant 0 : i32
      %broadcast_in_dim3A_49 = vector.broadcast %broadcast_in_dim3A : i32 to vector<16xi32>
      %gather3A = tpu.vector_load_idx %arg6[%broadcast_in_dim3A_49, %get3A_48] : memref<16x1024xf32, #tpu.memory_space<vmem>>[vector<16xi32>, vector<16xi32>], vector<16xf32>,
      %mul3A_50 = arith.constant 16 : i32
      %mul3A_51 = arith.muli %add3A_45, %mul3A_50 : i32
      %swap3A = arith.constant 0 : i32
      %swap3A_52 = arith.index_cast %swap3A : i32 to index
      %swap3A_53 = arith.index_cast %mul3A_51 : i32 to index
      %swap3A_54 = tpu.vector_load %arg7[%swap3A_52, %swap3A_53] {strides = array<i32>} : memref<16x1024xf32, #tpu.memory_space<vmem>>, vector<16xf32>,
      tpu.vector_store %arg7[%swap3A_52, %swap3A_53], %gather3A {strides = array<i32>} : memref<16x1024xf32, #tpu.memory_space<vmem>>, vector<16xf32>,
      %broadcast_in_dim3A_55 = arith.constant 1 : i32
      %broadcast_in_dim3A_56 = vector.broadcast %broadcast_in_dim3A_55 : i32 to vector<16xi32>
      %gather3A_57 = tpu.vector_load_idx %arg6[%broadcast_in_dim3A_56, %get3A_48] : memref<16x1024xf32, #tpu.memory_space<vmem>>[vector<16xi32>, vector<16xi32>], vector<16xf32>,
      %mul3A_58 = arith.constant 16 : i32
      %mul3A_59 = arith.muli %add3A_45, %mul3A_58 : i32
      %swap3A_60 = arith.constant 1 : i32
      %swap3A_61 = arith.index_cast %swap3A_60 : i32 to index
      %swap3A_62 = arith.index_cast %mul3A_59 : i32 to index
      %swap3A_63 = tpu.vector_load %arg7[%swap3A_61, %swap3A_62] {strides = array<i32>} : memref<16x1024xf32, #tpu.memory_space<vmem>>, vector<16xf32>,
      tpu.vector_store %arg7[%swap3A_61, %swap3A_62], %gather3A_57 {strides = array<i32>} : memref<16x1024xf32, #tpu.memory_space<vmem>>, vector<16xf32>,
      %broadcast_in_dim3A_64 = arith.constant 2 : i32
      %broadcast_in_dim3A_65 = vector.broadcast %broadcast_in_dim3A_64 : i32 to vector<16xi32>
      %gather3A_66 = tpu.vector_load_idx %arg6[%broadcast_in_dim3A_65, %get3A_48] : memref<16x1024xf32, #tpu.memory_space<vmem>>[vector<16xi32>, vector<16xi32>], vector<16xf32>,
      %mul3A_67 = arith.constant 16 : i32
      %mul3A_68 = arith.muli %add3A_45, %mul3A_67 : i32
      %swap3A_69 = arith.constant 2 : i32
      %swap3A_70 = arith.index_cast %swap3A_69 : i32 to index
      %swap3A_71 = arith.index_cast %mul3A_68 : i32 to index
      %swap3A_72 = tpu.vector_load %arg7[%swap3A_70, %swap3A_71] {strides = array<i32>} : memref<16x1024xf32, #tpu.memory_space<vmem>>, vector<16xf32>,
      tpu.vector_store %arg7[%swap3A_70, %swap3A_71], %gather3A_66 {strides = array<i32>} : memref<16x1024xf32, #tpu.memory_space<vmem>>, vector<16xf32>,
      %broadcast_in_dim3A_73 = arith.constant 3 : i32
      %broadcast_in_dim3A_74 = vector.broadcast %broadcast_in_dim3A_73 : i32 to vector<16xi32>
      %gather3A_75 = tpu.vector_load_idx %arg6[%broadcast_in_dim3A_74, %get3A_48] : memref<16x1024xf32, #tpu.memory_space<vmem>>[vector<16xi32>, vector<16xi32>], vector<16xf32>,
      %mul3A_76 = arith.constant 16 : i32
      %mul3A_77 = arith.muli %add3A_45, %mul3A_76 : i32
      %swap3A_78 = arith.constant 3 : i32
      %swap3A_79 = arith.index_cast %swap3A_78 : i32 to index
      %swap3A_80 = arith.index_cast %mul3A_77 : i32 to index
      %swap3A_81 = tpu.vector_load %arg7[%swap3A_79, %swap3A_80] {strides = array<i32>} : memref<16x1024xf32, #tpu.memory_space<vmem>>, vector<16xf32>,
      tpu.vector_store %arg7[%swap3A_79, %swap3A_80], %gather3A_75 {strides = array<i32>} : memref<16x1024xf32, #tpu.memory_space<vmem>>, vector<16xf32>,
      %broadcast_in_dim3A_82 = arith.constant 4 : i32
      %broadcast_in_dim3A_83 = vector.broadcast %broadcast_in_dim3A_82 : i32 to vector<16xi32>
      %gather3A_84 = tpu.vector_load_idx %arg6[%broadcast_in_dim3A_83, %get3A_48] : memref<16x1024xf32, #tpu.memory_space<vmem>>[vector<16xi32>, vector<16xi32>], vector<16xf32>,
      %mul3A_85 = arith.constant 16 : i32
      %mul3A_86 = arith.muli %add3A_45, %mul3A_85 : i32
      %swap3A_87 = arith.constant 4 : i32
      %swap3A_88 = arith.index_cast %swap3A_87 : i32 to index
      %swap3A_89 = arith.index_cast %mul3A_86 : i32 to index
      %swap3A_90 = tpu.vector_load %arg7[%swap3A_88, %swap3A_89] {strides = array<i32>} : memref<16x1024xf32, #tpu.memory_space<vmem>>, vector<16xf32>,
      tpu.vector_store %arg7[%swap3A_88, %swap3A_89], %gather3A_84 {strides = array<i32>} : memref<16x1024xf32, #tpu.memory_space<vmem>>, vector<16xf32>,
      %broadcast_in_dim3A_91 = arith.constant 5 : i32
      %broadcast_in_dim3A_92 = vector.broadcast %broadcast_in_dim3A_91 : i32 to vector<16xi32>
      %gather3A_93 = tpu.vector_load_idx %arg6[%broadcast_in_dim3A_92, %get3A_48] : memref<16x1024xf32, #tpu.memory_space<vmem>>[vector<16xi32>, vector<16xi32>], vector<16xf32>,
      %mul3A_94 = arith.constant 16 : i32
      %mul3A_95 = arith.muli %add3A_45, %mul3A_94 : i32
      %swap3A_96 = arith.constant 5 : i32
      %swap3A_97 = arith.index_cast %swap3A_96 : i32 to index
      %swap3A_98 = arith.index_cast %mul3A_95 : i32 to index
      %swap3A_99 = tpu.vector_load %arg7[%swap3A_97, %swap3A_98] {strides = array<i32>} : memref<16x1024xf32, #tpu.memory_space<vmem>>, vector<16xf32>,
      tpu.vector_store %arg7[%swap3A_97, %swap3A_98], %gather3A_93 {strides = array<i32>} : memref<16x1024xf32, #tpu.memory_space<vmem>>, vector<16xf32>,
      %broadcast_in_dim3A_100 = arith.constant 6 : i32
      %broadcast_in_dim3A_101 = vector.broadcast %broadcast_in_dim3A_100 : i32 to vector<16xi32>
      %gather3A_102 = tpu.vector_load_idx %arg6[%broadcast_in_dim3A_101, %get3A_48] : memref<16x1024xf32, #tpu.memory_space<vmem>>[vector<16xi32>, vector<16xi32>], vector<16xf32>,
      %mul3A_103 = arith.constant 16 : i32
      %mul3A_104 = arith.muli %add3A_45, %mul3A_103 : i32
      %swap3A_105 = arith.constant 6 : i32
      %swap3A_106 = arith.index_cast %swap3A_105 : i32 to index
      %swap3A_107 = arith.index_cast %mul3A_104 : i32 to index
      %swap3A_108 = tpu.vector_load %arg7[%swap3A_106, %swap3A_107] {strides = array<i32>} : memref<16x1024xf32, #tpu.memory_space<vmem>>, vector<16xf32>,
      tpu.vector_store %arg7[%swap3A_106, %swap3A_107], %gather3A_102 {strides = array<i32>} : memref<16x1024xf32, #tpu.memory_space<vmem>>, vector<16xf32>,
      %broadcast_in_dim3A_109 = arith.constant 7 : i32
      %broadcast_in_dim3A_110 = vector.broadcast %broadcast_in_dim3A_109 : i32 to vector<16xi32>
      %gather3A_111 = tpu.vector_load_idx %arg6[%broadcast_in_dim3A_110, %get3A_48] : memref<16x1024xf32, #tpu.memory_space<vmem>>[vector<16xi32>, vector<16xi32>], vector<16xf32>,
      %mul3A_112 = arith.constant 16 : i32
      %mul3A_113 = arith.muli %add3A_45, %mul3A_112 : i32
      %swap3A_114 = arith.constant 7 : i32
      %swap3A_115 = arith.index_cast %swap3A_114 : i32 to index
      %swap3A_116 = arith.index_cast %mul3A_113 : i32 to index
      %swap3A_117 = tpu.vector_load %arg7[%swap3A_115, %swap3A_116] {strides = array<i32>} : memref<16x1024xf32, #tpu.memory_space<vmem>>, vector<16xf32>,
      tpu.vector_store %arg7[%swap3A_115, %swap3A_116], %gather3A_111 {strides = array<i32>} : memref<16x1024xf32, #tpu.memory_space<vmem>>, vector<16xf32>,
      %broadcast_in_dim3A_118 = arith.constant 8 : i32
      %broadcast_in_dim3A_119 = vector.broadcast %broadcast_in_dim3A_118 : i32 to vector<16xi32>
      %gather3A_120 = tpu.vector_load_idx %arg6[%broadcast_in_dim3A_119, %get3A_48] : memref<16x1024xf32, #tpu.memory_space<vmem>>[vector<16xi32>, vector<16xi32>], vector<16xf32>,
      %mul3A_121 = arith.constant 16 : i32
      %mul3A_122 = arith.muli %add3A_45, %mul3A_121 : i32
      %swap3A_123 = arith.constant 8 : i32
      %swap3A_124 = arith.index_cast %swap3A_123 : i32 to index
      %swap3A_125 = arith.index_cast %mul3A_122 : i32 to index
      %swap3A_126 = tpu.vector_load %arg7[%swap3A_124, %swap3A_125] {strides = array<i32>} : memref<16x1024xf32, #tpu.memory_space<vmem>>, vector<16xf32>,
      tpu.vector_store %arg7[%swap3A_124, %swap3A_125], %gather3A_120 {strides = array<i32>} : memref<16x1024xf32, #tpu.memory_space<vmem>>, vector<16xf32>,
      %broadcast_in_dim3A_127 = arith.constant 9 : i32
      %broadcast_in_dim3A_128 = vector.broadcast %broadcast_in_dim3A_127 : i32 to vector<16xi32>
      %gather3A_129 = tpu.vector_load_idx %arg6[%broadcast_in_dim3A_128, %get3A_48] : memref<16x1024xf32, #tpu.memory_space<vmem>>[vector<16xi32>, vector<16xi32>], vector<16xf32>,
      %mul3A_130 = arith.constant 16 : i32
      %mul3A_131 = arith.muli %add3A_45, %mul3A_130 : i32
      %swap3A_132 = arith.constant 9 : i32
      %swap3A_133 = arith.index_cast %swap3A_132 : i32 to index
      %swap3A_134 = arith.index_cast %mul3A_131 : i32 to index
      %swap3A_135 = tpu.vector_load %arg7[%swap3A_133, %swap3A_134] {strides = array<i32>} : memref<16x1024xf32, #tpu.memory_space<vmem>>, vector<16xf32>,
      tpu.vector_store %arg7[%swap3A_133, %swap3A_134], %gather3A_129 {strides = array<i32>} : memref<16x1024xf32, #tpu.memory_space<vmem>>, vector<16xf32>,
      %broadcast_in_dim3A_136 = arith.constant 10 : i32
      %broadcast_in_dim3A_137 = vector.broadcast %broadcast_in_dim3A_136 : i32 to vector<16xi32>
      %gather3A_138 = tpu.vector_load_idx %arg6[%broadcast_in_dim3A_137, %get3A_48] : memref<16x1024xf32, #tpu.memory_space<vmem>>[vector<16xi32>, vector<16xi32>], vector<16xf32>,
      %mul3A_139 = arith.constant 16 : i32
      %mul3A_140 = arith.muli %add3A_45, %mul3A_139 : i32
      %swap3A_141 = arith.constant 10 : i32
      %swap3A_142 = arith.index_cast %swap3A_141 : i32 to index
      %swap3A_143 = arith.index_cast %mul3A_140 : i32 to index
      %swap3A_144 = tpu.vector_load %arg7[%swap3A_142, %swap3A_143] {strides = array<i32>} : memref<16x1024xf32, #tpu.memory_space<vmem>>, vector<16xf32>,
      tpu.vector_store %arg7[%swap3A_142, %swap3A_143], %gather3A_138 {strides = array<i32>} : memref<16x1024xf32, #tpu.memory_space<vmem>>, vector<16xf32>,
      %broadcast_in_dim3A_145 = arith.constant 11 : i32
      %broadcast_in_dim3A_146 = vector.broadcast %broadcast_in_dim3A_145 : i32 to vector<16xi32>
      %gather3A_147 = tpu.vector_load_idx %arg6[%broadcast_in_dim3A_146, %get3A_48] : memref<16x1024xf32, #tpu.memory_space<vmem>>[vector<16xi32>, vector<16xi32>], vector<16xf32>,
      %mul3A_148 = arith.constant 16 : i32
      %mul3A_149 = arith.muli %add3A_45, %mul3A_148 : i32
      %swap3A_150 = arith.constant 11 : i32
      %swap3A_151 = arith.index_cast %swap3A_150 : i32 to index
      %swap3A_152 = arith.index_cast %mul3A_149 : i32 to index
      %swap3A_153 = tpu.vector_load %arg7[%swap3A_151, %swap3A_152] {strides = array<i32>} : memref<16x1024xf32, #tpu.memory_space<vmem>>, vector<16xf32>,
      tpu.vector_store %arg7[%swap3A_151, %swap3A_152], %gather3A_147 {strides = array<i32>} : memref<16x1024xf32, #tpu.memory_space<vmem>>, vector<16xf32>,
      %broadcast_in_dim3A_154 = arith.constant 12 : i32
      %broadcast_in_dim3A_155 = vector.broadcast %broadcast_in_dim3A_154 : i32 to vector<16xi32>
      %gather3A_156 = tpu.vector_load_idx %arg6[%broadcast_in_dim3A_155, %get3A_48] : memref<16x1024xf32, #tpu.memory_space<vmem>>[vector<16xi32>, vector<16xi32>], vector<16xf32>,
      %mul3A_157 = arith.constant 16 : i32
      %mul3A_158 = arith.muli %add3A_45, %mul3A_157 : i32
      %swap3A_159 = arith.constant 12 : i32
      %swap3A_160 = arith.index_cast %swap3A_159 : i32 to index
      %swap3A_161 = arith.index_cast %mul3A_158 : i32 to index
      %swap3A_162 = tpu.vector_load %arg7[%swap3A_160, %swap3A_161] {strides = array<i32>} : memref<16x1024xf32, #tpu.memory_space<vmem>>, vector<16xf32>,
      tpu.vector_store %arg7[%swap3A_160, %swap3A_161], %gather3A_156 {strides = array<i32>} : memref<16x1024xf32, #tpu.memory_space<vmem>>, vector<16xf32>,
      %broadcast_in_dim3A_163 = arith.constant 13 : i32
      %broadcast_in_dim3A_164 = vector.broadcast %broadcast_in_dim3A_163 : i32 to vector<16xi32>
      %gather3A_165 = tpu.vector_load_idx %arg6[%broadcast_in_dim3A_164, %get3A_48] : memref<16x1024xf32, #tpu.memory_space<vmem>>[vector<16xi32>, vector<16xi32>], vector<16xf32>,
      %mul3A_166 = arith.constant 16 : i32
      %mul3A_167 = arith.muli %add3A_45, %mul3A_166 : i32
      %swap3A_168 = arith.constant 13 : i32
      %swap3A_169 = arith.index_cast %swap3A_168 : i32 to index
      %swap3A_170 = arith.index_cast %mul3A_167 : i32 to index
      %swap3A_171 = tpu.vector_load %arg7[%swap3A_169, %swap3A_170] {strides = array<i32>} : memref<16x1024xf32, #tpu.memory_space<vmem>>, vector<16xf32>,
      tpu.vector_store %arg7[%swap3A_169, %swap3A_170], %gather3A_165 {strides = array<i32>} : memref<16x1024xf32, #tpu.memory_space<vmem>>, vector<16xf32>,
      %broadcast_in_dim3A_172 = arith.constant 14 : i32
      %broadcast_in_dim3A_173 = vector.broadcast %broadcast_in_dim3A_172 : i32 to vector<16xi32>
      %gather3A_174 = tpu.vector_load_idx %arg6[%broadcast_in_dim3A_173, %get3A_48] : memref<16x1024xf32, #tpu.memory_space<vmem>>[vector<16xi32>, vector<16xi32>], vector<16xf32>,
      %mul3A_175 = arith.constant 16 : i32
      %mul3A_176 = arith.muli %add3A_45, %mul3A_175 : i32
      %swap3A_177 = arith.constant 14 : i32
      %swap3A_178 = arith.index_cast %swap3A_177 : i32 to index
      %swap3A_179 = arith.index_cast %mul3A_176 : i32 to index
      %swap3A_180 = tpu.vector_load %arg7[%swap3A_178, %swap3A_179] {strides = array<i32>} : memref<16x1024xf32, #tpu.memory_space<vmem>>, vector<16xf32>,
      tpu.vector_store %arg7[%swap3A_178, %swap3A_179], %gather3A_174 {strides = array<i32>} : memref<16x1024xf32, #tpu.memory_space<vmem>>, vector<16xf32>,
      %broadcast_in_dim3A_181 = arith.constant 15 : i32
      %broadcast_in_dim3A_182 = vector.broadcast %broadcast_in_dim3A_181 : i32 to vector<16xi32>
      %gather3A_183 = tpu.vector_load_idx %arg6[%broadcast_in_dim3A_182, %get3A_48] : memref<16x1024xf32, #tpu.memory_space<vmem>>[vector<16xi32>, vector<16xi32>], vector<16xf32>,
      %mul3A_184 = arith.constant 16 : i32
      %mul3A_185 = arith.muli %add3A_45, %mul3A_184 : i32
      %swap3A_186 = arith.constant 15 : i32
      %swap3A_187 = arith.index_cast %swap3A_186 : i32 to index
      %swap3A_188 = arith.index_cast %mul3A_185 : i32 to index
      %swap3A_189 = tpu.vector_load %arg7[%swap3A_187, %swap3A_188] {strides = array<i32>} : memref<16x1024xf32, #tpu.memory_space<vmem>>, vector<16xf32>,
      tpu.vector_store %arg7[%swap3A_187, %swap3A_188], %gather3A_183 {strides = array<i32>} : memref<16x1024xf32, #tpu.memory_space<vmem>>, vector<16xf32>,
    }
    %scan3A_38 = arith.constant 64 : i32
    %mul3A_39 = arith.constant 16 : i32
    %mul3A_40 = arith.muli %select_n3A_30, %mul3A_39 : i32
    "tpu.region"() ({
      %run_scoped3A = tpu.sem_alloc : memref<!tpu.dma_semaphore, #tpu.memory_space<semaphore_mem>>
      %dma_start3A = arith.constant 0 : i32
      %dma_start3A_41 = tpu.memref_slice %arg4[%select_n3A, %mul3A_40, %dma_start3A] : memref<8x64x1024xf32, #tpu.memory_space<hbm>> -> memref<1x16x1024xf32, #tpu.memory_space<hbm>>
      %dma_start3A_42 = tpu.memref_squeeze %dma_start3A_41 : memref<1x16x1024xf32, #tpu.memory_space<hbm>> -> memref<16x1024xf32, #tpu.memory_space<hbm>>
      %dma_start3A_43 = arith.constant 0 : i32
      %dma_start3A_44 = tpu.memref_slice %arg4[%select_n3A, %mul3A_40, %dma_start3A_43] : memref<8x64x1024xf32, #tpu.memory_space<hbm>> -> memref<1x16x1024xf32, #tpu.memory_space<hbm>>
      %dma_start3A_45 = tpu.memref_squeeze %dma_start3A_44 : memref<1x16x1024xf32, #tpu.memory_space<hbm>> -> memref<16x1024xf32, #tpu.memory_space<hbm>>
      tpu.enqueue_dma source(%arg7 : memref<16x1024xf32, #tpu.memory_space<vmem>>) target(%dma_start3A_45 : memref<16x1024xf32, #tpu.memory_space<hbm>>) target_semaphore(%run_scoped3A : memref<!tpu.dma_semaphore, #tpu.memory_space<semaphore_mem>>)
      %dma_wait3A = arith.constant 0 : i32
      %dma_wait3A_46 = tpu.memref_slice %arg4[%select_n3A, %mul3A_40, %dma_wait3A] : memref<8x64x1024xf32, #tpu.memory_space<hbm>> -> memref<1x16x1024xf32, #tpu.memory_space<hbm>>
      %dma_wait3A_47 = tpu.memref_squeeze %dma_wait3A_46 : memref<1x16x1024xf32, #tpu.memory_space<hbm>> -> memref<16x1024xf32, #tpu.memory_space<hbm>>
      %dma_wait3A_48 = arith.constant 0 : i32
      %dma_wait3A_49 = tpu.memref_slice %arg4[%select_n3A, %mul3A_40, %dma_wait3A_48] : memref<8x64x1024xf32, #tpu.memory_space<hbm>> -> memref<1x16x1024xf32, #tpu.memory_space<hbm>>
      %dma_wait3A_50 = tpu.memref_squeeze %dma_wait3A_49 : memref<1x16x1024xf32, #tpu.memory_space<hbm>> -> memref<16x1024xf32, #tpu.memory_space<hbm>>
      tpu.wait_dma2 semaphore(%run_scoped3A : memref<!tpu.dma_semaphore, #tpu.memory_space<semaphore_mem>>) src(%arg7 : memref<16x1024xf32, #tpu.memory_space<vmem>>) dst(%dma_wait3A_50 : memref<16x1024xf32, #tpu.memory_space<hbm>>)
      tpu.yield
    }) : () -> ()
    return
  }
}

module attributes {stable_mosaic.version = 14 : i64} {
  func.func @_argmin_body(%arg0: i32, %arg1: memref<1x64x1024xf32, #tpu.memory_space<vmem>>, %arg2: memref<1024x64xf32, #tpu.memory_space<vmem>>, %arg3: memref<1x1x1024xi32, #tpu.memory_space<vmem>>, %arg4: memref<1x1x1xf32, #tpu.memory_space<vmem>>) attributes {dimension_semantics = [#tpu.dimension_semantics<parallel>], iteration_bounds = array<i64: 8>, scalar_prefetch = 0 : i64, scratch_operands = 0 : i64, tpu.core_type = #tpu.core_type<tc>, window_params = [{transform_indices = @transform_0, window_bounds = array<i64: 1, 64, 1024>}, {pipeline_mode = #tpu.pipeline_mode<synchronous>, transform_indices = @transform_1, window_bounds = array<i64: 1024, 64>}, {transform_indices = @transform_2, window_bounds = array<i64: 1, 1, 1024>}, {transform_indices = @transform_3, window_bounds = array<i64: 1, 1, 1>}]} {
    %get3A = arith.constant 0 : index
    %get3A_0 = arith.constant 0 : index
    %get3A_1 = arith.constant 0 : index
    %get3A_2 = vector.load %arg1[%get3A, %get3A_0, %get3A_1] : memref<1x64x1024xf32, #tpu.memory_space<vmem>>, vector<1x64x1024xf32>
    %reshape3A = vector.shape_cast %get3A_2 : vector<1x64x1024xf32> to vector<64x1024xf32>
    %mul3A = arith.mulf %reshape3A, %reshape3A : vector<64x1024xf32>
    %reduce_sum3A = arith.constant dense<0.000000e+00> : vector<1024xf32>
    %reduce_sum3A_3 = vector.multi_reduction <add>, %mul3A, %reduce_sum3A [0] : vector<64x1024xf32> to vector<1024xf32>
    %broadcast_in_dim3A = vector.shape_cast %reduce_sum3A_3 : vector<1024xf32> to vector<1x1024xf32>
    %get3A_4 = arith.constant 0 : index
    %get3A_5 = arith.constant 0 : index
    %get3A_6 = vector.load %arg2[%get3A_4, %get3A_5] : memref<1024x64xf32, #tpu.memory_space<vmem>>, vector<1024x64xf32>
    %dot_general3A = arith.constant dense<0.000000e+00> : vector<1024x1024xf32>
    %dot_general3A_7 = tpu.matmul %get3A_6, %reshape3A, %dot_general3A {dimension_numbers = #tpu.dot_dimension_numbers<[1], [0], [0], [1], [0, 0, 1, 1], [], []>, transpose_lhs_hint = false} : vector<1024x64xf32>, vector<64x1024xf32>, vector<1024x1024xf32> -> vector<1024x1024xf32>
    %get3A_8 = arith.constant 0 : index
    %get3A_9 = arith.constant 0 : index
    %get3A_10 = vector.load %arg2[%get3A_8, %get3A_9] : memref<1024x64xf32, #tpu.memory_space<vmem>>, vector<1024x64xf32>
    %integer_pow3A = arith.mulf %get3A_10, %get3A_10 : vector<1024x64xf32>
    %reduce_sum3A_11 = arith.constant dense<0.000000e+00> : vector<1024xf32>
    %reduce_sum3A_12 = vector.multi_reduction <add>, %integer_pow3A, %reduce_sum3A_11 [1] : vector<1024x64xf32> to vector<1024xf32>
    %broadcast_in_dim3A_13 = vector.shape_cast %reduce_sum3A_12 : vector<1024xf32> to vector<1024x1xf32>
    %mul3A_14 = arith.constant 2.000000e+00 : f32
    %mul3A_15 = vector.broadcast %mul3A_14 : f32 to vector<1024x1024xf32>
    %mul3A_16 = arith.mulf %mul3A_15, %dot_general3A_7 : vector<1024x1024xf32>
    %sub3A = vector.broadcast %broadcast_in_dim3A : vector<1x1024xf32> to vector<1024x1024xf32>
    %sub3A_17 = arith.subf %sub3A, %mul3A_16 : vector<1024x1024xf32>
    %add3A = vector.broadcast %broadcast_in_dim3A_13 : vector<1024x1xf32> to vector<1024x1024xf32>
    %add3A_18 = arith.addf %sub3A_17, %add3A : vector<1024x1024xf32>
    %reduce_min3A = arith.constant dense<0x7F800000> : vector<1024xf32>
    %reduce_min3A_19 = vector.multi_reduction <minimumf>, %add3A_18, %reduce_min3A [0] : vector<1024x1024xf32> to vector<1024xf32>
    %broadcast_in_dim3A_20 = vector.shape_cast %reduce_min3A_19 : vector<1024xf32> to vector<1x1024xf32>
    %iota3A = tpu.iota {dimensions = array<i32: 0>} : vector<1024x1024xi32>
    %eq3A = vector.broadcast %broadcast_in_dim3A_20 : vector<1x1024xf32> to vector<1024x1024xf32>
    %eq3A_21 = arith.cmpf oeq, %add3A_18, %eq3A : vector<1024x1024xf32>
    %jit3A = arith.constant 1024 : i32
    %broadcast_in_dim3A_22 = vector.broadcast %jit3A : i32 to vector<1024x1024xi32>
    %select_n3A = arith.select %eq3A_21, %iota3A, %broadcast_in_dim3A_22 : vector<1024x1024xi1>, vector<1024x1024xi32>
    %reduce_min3A_23 = arith.constant dense<2147483647> : vector<1024xi32>
    %reduce_min3A_24 = vector.multi_reduction <minsi>, %select_n3A, %reduce_min3A_23 [0] : vector<1024x1024xi32> to vector<1024xi32>
    %broadcast_in_dim3A_25 = vector.shape_cast %reduce_min3A_24 : vector<1024xi32> to vector<1x1024xi32>
    %reshape3A_26 = vector.shape_cast %broadcast_in_dim3A_25 : vector<1x1024xi32> to vector<1x1x1024xi32>
    %swap3A = arith.constant 0 : index
    %swap3A_27 = arith.constant 0 : index
    %swap3A_28 = arith.constant 0 : index
    %swap3A_29 = vector.load %arg3[%swap3A, %swap3A_27, %swap3A_28] : memref<1x1x1024xi32, #tpu.memory_space<vmem>>, vector<1x1x1024xi32>
    tpu.vector_store %arg3[%swap3A, %swap3A_27, %swap3A_28], %reshape3A_26 {strides = array<i32>} : memref<1x1x1024xi32, #tpu.memory_space<vmem>>, vector<1x1x1024xi32>,
    %reduce_sum3A_30 = vector.shape_cast %broadcast_in_dim3A_20 : vector<1x1024xf32> to vector<1x1x1024xf32>
    %reduce_sum3A_31 = arith.constant dense<0.000000e+00> : vector<1xf32>
    %reduce_sum3A_32 = vector.multi_reduction <add>, %reduce_sum3A_30, %reduce_sum3A_31 [1, 2] : vector<1x1x1024xf32> to vector<1xf32>
    %reduce_sum3A_33 = vector.shape_cast %reduce_sum3A_32 : vector<1xf32> to vector<1x1x1xf32>
    %reduce_sum3A_34 = vector.extract %reduce_sum3A_33[0, 0, 0] : f32 from vector<1x1x1xf32>
    %reshape3A_35 = vector.broadcast %reduce_sum3A_34 : f32 to vector<1x1x1xf32>
    %swap3A_36 = arith.constant 0 : index
    %swap3A_37 = arith.constant 0 : index
    %swap3A_38 = arith.constant 0 : index
    %swap3A_39 = vector.load %arg4[%swap3A_36, %swap3A_37, %swap3A_38] : memref<1x1x1xf32, #tpu.memory_space<vmem>>, vector<1x1x1xf32>
    tpu.vector_store %arg4[%swap3A_36, %swap3A_37, %swap3A_38], %reshape3A_35 {strides = array<i32>} : memref<1x1x1xf32, #tpu.memory_space<vmem>>, vector<1x1x1xf32>,
    return
  }
  func.func @transform_0(%arg0: i32) -> (i32, i32, i32) {
    %jit3A = arith.constant 1 : i32
    %div3A = arith.divsi %arg0, %jit3A : i32
    %sign3A = arith.constant 0 : i32
    %sign3A_0 = arith.cmpi sgt, %arg0, %sign3A : i32
    %sign3A_1 = arith.extui %sign3A_0 : i1 to i32
    %sign3A_2 = arith.constant 0 : i32
    %sign3A_3 = arith.cmpi slt, %arg0, %sign3A_2 : i32
    %sign3A_4 = arith.extui %sign3A_3 : i1 to i32
    %sign3A_5 = arith.subi %sign3A_1, %sign3A_4 : i32
    %sign3A_6 = arith.constant 0 : i32
    %sign3A_7 = arith.cmpi sgt, %jit3A, %sign3A_6 : i32
    %sign3A_8 = arith.extui %sign3A_7 : i1 to i32
    %sign3A_9 = arith.constant 0 : i32
    %sign3A_10 = arith.cmpi slt, %jit3A, %sign3A_9 : i32
    %sign3A_11 = arith.extui %sign3A_10 : i1 to i32
    %sign3A_12 = arith.subi %sign3A_8, %sign3A_11 : i32
    %ne3A = arith.cmpi ne, %sign3A_5, %sign3A_12 : i32
    %rem3A = arith.remsi %arg0, %jit3A : i32
    %ne3A_13 = arith.constant 0 : i32
    %ne3A_14 = arith.cmpi ne, %rem3A, %ne3A_13 : i32
    %and3A = arith.andi %ne3A, %ne3A_14 : i1
    %sub3A = arith.constant 1 : i32
    %sub3A_15 = arith.subi %div3A, %sub3A : i32
    %select_n3A = arith.select %and3A, %sub3A_15, %div3A : i32
    %add3A = arith.constant 0 : i32
    %add3A_16 = arith.addi %add3A, %select_n3A : i32
    %jit3A_17 = arith.constant 1 : i32
    %eq3A = arith.constant 0 : i32
    %eq3A_18 = arith.cmpi eq, %jit3A_17, %eq3A : i32
    %jit3A_19 = arith.constant 1 : i32
    %select_n3A_20 = arith.select %eq3A_18, %jit3A_19, %jit3A_17 : i32
    %rem3A_21 = arith.remsi %arg0, %select_n3A_20 : i32
    %ne3A_22 = arith.constant 0 : i32
    %ne3A_23 = arith.cmpi ne, %rem3A_21, %ne3A_22 : i32
    %lt3A = arith.constant 0 : i32
    %lt3A_24 = arith.cmpi slt, %rem3A_21, %lt3A : i32
    %lt3A_25 = arith.constant 0 : i32
    %lt3A_26 = arith.cmpi slt, %select_n3A_20, %lt3A_25 : i32
    %ne3A_27 = arith.xori %lt3A_24, %lt3A_26 : i1
    %and3A_28 = arith.andi %ne3A_27, %ne3A_23 : i1
    %add3A_29 = arith.addi %rem3A_21, %select_n3A_20 : i32
    %select_n3A_30 = arith.select %and3A_28, %add3A_29, %rem3A_21 : i32
    %c0_i32 = arith.constant 0 : i32
    %c0_i32_31 = arith.constant 0 : i32
    return %add3A_16, %c0_i32, %select_n3A_30 : i32, i32, i32
  }
  func.func @transform_1(%arg0: i32) -> (i32, i32) {
    %c0_i32 = arith.constant 0 : i32
    %c0_i32_0 = arith.constant 0 : i32
    %c0_i32_1 = arith.constant 0 : i32
    return %c0_i32, %c0_i32_0 : i32, i32
  }
  func.func @transform_2(%arg0: i32) -> (i32, i32, i32) {
    %jit3A = arith.constant 1 : i32
    %div3A = arith.divsi %arg0, %jit3A : i32
    %sign3A = arith.constant 0 : i32
    %sign3A_0 = arith.cmpi sgt, %arg0, %sign3A : i32
    %sign3A_1 = arith.extui %sign3A_0 : i1 to i32
    %sign3A_2 = arith.constant 0 : i32
    %sign3A_3 = arith.cmpi slt, %arg0, %sign3A_2 : i32
    %sign3A_4 = arith.extui %sign3A_3 : i1 to i32
    %sign3A_5 = arith.subi %sign3A_1, %sign3A_4 : i32
    %sign3A_6 = arith.constant 0 : i32
    %sign3A_7 = arith.cmpi sgt, %jit3A, %sign3A_6 : i32
    %sign3A_8 = arith.extui %sign3A_7 : i1 to i32
    %sign3A_9 = arith.constant 0 : i32
    %sign3A_10 = arith.cmpi slt, %jit3A, %sign3A_9 : i32
    %sign3A_11 = arith.extui %sign3A_10 : i1 to i32
    %sign3A_12 = arith.subi %sign3A_8, %sign3A_11 : i32
    %ne3A = arith.cmpi ne, %sign3A_5, %sign3A_12 : i32
    %rem3A = arith.remsi %arg0, %jit3A : i32
    %ne3A_13 = arith.constant 0 : i32
    %ne3A_14 = arith.cmpi ne, %rem3A, %ne3A_13 : i32
    %and3A = arith.andi %ne3A, %ne3A_14 : i1
    %sub3A = arith.constant 1 : i32
    %sub3A_15 = arith.subi %div3A, %sub3A : i32
    %select_n3A = arith.select %and3A, %sub3A_15, %div3A : i32
    %jit3A_16 = arith.constant 1 : i32
    %eq3A = arith.constant 0 : i32
    %eq3A_17 = arith.cmpi eq, %jit3A_16, %eq3A : i32
    %jit3A_18 = arith.constant 1 : i32
    %select_n3A_19 = arith.select %eq3A_17, %jit3A_18, %jit3A_16 : i32
    %rem3A_20 = arith.remsi %arg0, %select_n3A_19 : i32
    %ne3A_21 = arith.constant 0 : i32
    %ne3A_22 = arith.cmpi ne, %rem3A_20, %ne3A_21 : i32
    %lt3A = arith.constant 0 : i32
    %lt3A_23 = arith.cmpi slt, %rem3A_20, %lt3A : i32
    %lt3A_24 = arith.constant 0 : i32
    %lt3A_25 = arith.cmpi slt, %select_n3A_19, %lt3A_24 : i32
    %ne3A_26 = arith.xori %lt3A_23, %lt3A_25 : i1
    %and3A_27 = arith.andi %ne3A_26, %ne3A_22 : i1
    %add3A = arith.addi %rem3A_20, %select_n3A_19 : i32
    %select_n3A_28 = arith.select %and3A_27, %add3A, %rem3A_20 : i32
    %c0_i32 = arith.constant 0 : i32
    %c0_i32_29 = arith.constant 0 : i32
    return %select_n3A, %c0_i32, %select_n3A_28 : i32, i32, i32
  }
  func.func @transform_3(%arg0: i32) -> (i32, i32, i32) {
    %c0_i32 = arith.constant 0 : i32
    %c0_i32_0 = arith.constant 0 : i32
    %c0_i32_1 = arith.constant 0 : i32
    return %arg0, %c0_i32, %c0_i32_0 : i32, i32, i32
  }
}

module attributes {stable_mosaic.version = 14 : i64} {
  func.func @_vq_body(%arg0: i32, %arg1: memref<1x64x1024xf32, #tpu.memory_space<vmem>>, %arg2: memref<1024x64xf32, #tpu.memory_space<vmem>>, %arg3: memref<64x1024xf32, #tpu.memory_space<vmem>>, %arg4: memref<1x1x1024xi32, #tpu.memory_space<vmem>>, %arg5: memref<1x64x1024xf32, #tpu.memory_space<vmem>>, %arg6: memref<1x1x1xf32, #tpu.memory_space<vmem>>) attributes {dimension_semantics = [#tpu.dimension_semantics<parallel>], iteration_bounds = array<i64: 8>, scalar_prefetch = 0 : i64, scratch_operands = 0 : i64, tpu.core_type = #tpu.core_type<tc>, window_params = [{transform_indices = @transform_0, window_bounds = array<i64: 1, 64, 1024>}, {pipeline_mode = #tpu.pipeline_mode<synchronous>, transform_indices = @transform_1, window_bounds = array<i64: 1024, 64>}, {pipeline_mode = #tpu.pipeline_mode<synchronous>, transform_indices = @transform_2, window_bounds = array<i64: 64, 1024>}, {transform_indices = @transform_3, window_bounds = array<i64: 1, 1, 1024>}, {transform_indices = @transform_4, window_bounds = array<i64: 1, 64, 1024>}, {transform_indices = @transform_5, window_bounds = array<i64: 1, 1, 1>}]} {
    %get3A = arith.constant 0 : index
    %get3A_0 = arith.constant 0 : index
    %get3A_1 = arith.constant 0 : index
    %get3A_2 = vector.load %arg1[%get3A, %get3A_0, %get3A_1] : memref<1x64x1024xf32, #tpu.memory_space<vmem>>, vector<1x64x1024xf32>
    %reshape3A = vector.shape_cast %get3A_2 : vector<1x64x1024xf32> to vector<64x1024xf32>
    %mul3A = arith.mulf %reshape3A, %reshape3A : vector<64x1024xf32>
    %reduce_sum3A = arith.constant dense<0.000000e+00> : vector<1024xf32>
    %reduce_sum3A_3 = vector.multi_reduction <add>, %mul3A, %reduce_sum3A [0] : vector<64x1024xf32> to vector<1024xf32>
    %broadcast_in_dim3A = vector.shape_cast %reduce_sum3A_3 : vector<1024xf32> to vector<1x1024xf32>
    %get3A_4 = arith.constant 0 : index
    %get3A_5 = arith.constant 0 : index
    %get3A_6 = vector.load %arg2[%get3A_4, %get3A_5] : memref<1024x64xf32, #tpu.memory_space<vmem>>, vector<1024x64xf32>
    %dot_general3A = arith.constant dense<0.000000e+00> : vector<1024x1024xf32>
    %dot_general3A_7 = tpu.matmul %get3A_6, %reshape3A, %dot_general3A {dimension_numbers = #tpu.dot_dimension_numbers<[1], [0], [0], [1], [0, 0, 1, 1], [], []>, transpose_lhs_hint = false} : vector<1024x64xf32>, vector<64x1024xf32>, vector<1024x1024xf32> -> vector<1024x1024xf32>
    %get3A_8 = arith.constant 0 : index
    %get3A_9 = arith.constant 0 : index
    %get3A_10 = vector.load %arg2[%get3A_8, %get3A_9] : memref<1024x64xf32, #tpu.memory_space<vmem>>, vector<1024x64xf32>
    %integer_pow3A = arith.mulf %get3A_10, %get3A_10 : vector<1024x64xf32>
    %reduce_sum3A_11 = arith.constant dense<0.000000e+00> : vector<1024xf32>
    %reduce_sum3A_12 = vector.multi_reduction <add>, %integer_pow3A, %reduce_sum3A_11 [1] : vector<1024x64xf32> to vector<1024xf32>
    %broadcast_in_dim3A_13 = vector.shape_cast %reduce_sum3A_12 : vector<1024xf32> to vector<1024x1xf32>
    %mul3A_14 = arith.constant 2.000000e+00 : f32
    %mul3A_15 = vector.broadcast %mul3A_14 : f32 to vector<1024x1024xf32>
    %mul3A_16 = arith.mulf %mul3A_15, %dot_general3A_7 : vector<1024x1024xf32>
    %sub3A = vector.broadcast %broadcast_in_dim3A : vector<1x1024xf32> to vector<1024x1024xf32>
    %sub3A_17 = arith.subf %sub3A, %mul3A_16 : vector<1024x1024xf32>
    %add3A = vector.broadcast %broadcast_in_dim3A_13 : vector<1024x1xf32> to vector<1024x1024xf32>
    %add3A_18 = arith.addf %sub3A_17, %add3A : vector<1024x1024xf32>
    %reduce_min3A = arith.constant dense<0x7F800000> : vector<1024xf32>
    %reduce_min3A_19 = vector.multi_reduction <minimumf>, %add3A_18, %reduce_min3A [0] : vector<1024x1024xf32> to vector<1024xf32>
    %broadcast_in_dim3A_20 = vector.shape_cast %reduce_min3A_19 : vector<1024xf32> to vector<1x1024xf32>
    %iota3A = tpu.iota {dimensions = array<i32: 0>} : vector<1024x1024xi32>
    %eq3A = vector.broadcast %broadcast_in_dim3A_20 : vector<1x1024xf32> to vector<1024x1024xf32>
    %eq3A_21 = arith.cmpf oeq, %add3A_18, %eq3A : vector<1024x1024xf32>
    %jit3A = arith.constant 1024 : i32
    %broadcast_in_dim3A_22 = vector.broadcast %jit3A : i32 to vector<1024x1024xi32>
    %select_n3A = arith.select %eq3A_21, %iota3A, %broadcast_in_dim3A_22 : vector<1024x1024xi1>, vector<1024x1024xi32>
    %reduce_min3A_23 = arith.constant dense<2147483647> : vector<1024xi32>
    %reduce_min3A_24 = vector.multi_reduction <minsi>, %select_n3A, %reduce_min3A_23 [0] : vector<1024x1024xi32> to vector<1024xi32>
    %broadcast_in_dim3A_25 = vector.shape_cast %reduce_min3A_24 : vector<1024xi32> to vector<1x1024xi32>
    %reshape3A_26 = vector.shape_cast %broadcast_in_dim3A_25 : vector<1x1024xi32> to vector<1x1x1024xi32>
    %swap3A = arith.constant 0 : index
    %swap3A_27 = arith.constant 0 : index
    %swap3A_28 = arith.constant 0 : index
    %swap3A_29 = vector.load %arg4[%swap3A, %swap3A_27, %swap3A_28] : memref<1x1x1024xi32, #tpu.memory_space<vmem>>, vector<1x1x1024xi32>
    tpu.vector_store %arg4[%swap3A, %swap3A_27, %swap3A_28], %reshape3A_26 {strides = array<i32>} : memref<1x1x1024xi32, #tpu.memory_space<vmem>>, vector<1x1x1024xi32>,
    %eq3A_30 = vector.broadcast %broadcast_in_dim3A_25 : vector<1x1024xi32> to vector<1024x1024xi32>
    %eq3A_31 = arith.cmpi eq, %iota3A, %eq3A_30 : vector<1024x1024xi32>
    %convert_element_type3A = arith.extui %eq3A_31 : vector<1024x1024xi1> to vector<1024x1024xi32>
    %convert_element_type3A_32 = arith.sitofp %convert_element_type3A : vector<1024x1024xi32> to vector<1024x1024xf32>
    %get3A_33 = arith.constant 0 : index
    %get3A_34 = arith.constant 0 : index
    %get3A_35 = vector.load %arg3[%get3A_33, %get3A_34] : memref<64x1024xf32, #tpu.memory_space<vmem>>, vector<64x1024xf32>
    %dot_general3A_36 = arith.constant dense<0.000000e+00> : vector<64x1024xf32>
    %dot_general3A_37 = tpu.matmul %get3A_35, %convert_element_type3A_32, %dot_general3A_36 {dimension_numbers = #tpu.dot_dimension_numbers<[1], [0], [0], [1], [0, 0, 1, 1], [], []>, transpose_lhs_hint = false} : vector<64x1024xf32>, vector<1024x1024xf32>, vector<64x1024xf32> -> vector<64x1024xf32>
    %sub3A_38 = arith.subf %dot_general3A_37, %reshape3A : vector<64x1024xf32>
    %add3A_39 = arith.addf %reshape3A, %sub3A_38 : vector<64x1024xf32>
    %reshape3A_40 = vector.shape_cast %add3A_39 : vector<64x1024xf32> to vector<1x64x1024xf32>
    %swap3A_41 = arith.constant 0 : index
    %swap3A_42 = arith.constant 0 : index
    %swap3A_43 = arith.constant 0 : index
    %swap3A_44 = vector.load %arg5[%swap3A_41, %swap3A_42, %swap3A_43] : memref<1x64x1024xf32, #tpu.memory_space<vmem>>, vector<1x64x1024xf32>
    tpu.vector_store %arg5[%swap3A_41, %swap3A_42, %swap3A_43], %reshape3A_40 {strides = array<i32>} : memref<1x64x1024xf32, #tpu.memory_space<vmem>>, vector<1x64x1024xf32>,
    %reduce_sum3A_45 = vector.shape_cast %broadcast_in_dim3A_20 : vector<1x1024xf32> to vector<1x1x1024xf32>
    %reduce_sum3A_46 = arith.constant dense<0.000000e+00> : vector<1xf32>
    %reduce_sum3A_47 = vector.multi_reduction <add>, %reduce_sum3A_45, %reduce_sum3A_46 [1, 2] : vector<1x1x1024xf32> to vector<1xf32>
    %reduce_sum3A_48 = vector.shape_cast %reduce_sum3A_47 : vector<1xf32> to vector<1x1x1xf32>
    %reduce_sum3A_49 = vector.extract %reduce_sum3A_48[0, 0, 0] : f32 from vector<1x1x1xf32>
    %reshape3A_50 = vector.broadcast %reduce_sum3A_49 : f32 to vector<1x1x1xf32>
    %swap3A_51 = arith.constant 0 : index
    %swap3A_52 = arith.constant 0 : index
    %swap3A_53 = arith.constant 0 : index
    %swap3A_54 = vector.load %arg6[%swap3A_51, %swap3A_52, %swap3A_53] : memref<1x1x1xf32, #tpu.memory_space<vmem>>, vector<1x1x1xf32>
    tpu.vector_store %arg6[%swap3A_51, %swap3A_52, %swap3A_53], %reshape3A_50 {strides = array<i32>} : memref<1x1x1xf32, #tpu.memory_space<vmem>>, vector<1x1x1xf32>,
    return
  }
  func.func @transform_0(%arg0: i32) -> (i32, i32, i32) {
    %jit3A = arith.constant 1 : i32
    %div3A = arith.divsi %arg0, %jit3A : i32
    %sign3A = arith.constant 0 : i32
    %sign3A_0 = arith.cmpi sgt, %arg0, %sign3A : i32
    %sign3A_1 = arith.extui %sign3A_0 : i1 to i32
    %sign3A_2 = arith.constant 0 : i32
    %sign3A_3 = arith.cmpi slt, %arg0, %sign3A_2 : i32
    %sign3A_4 = arith.extui %sign3A_3 : i1 to i32
    %sign3A_5 = arith.subi %sign3A_1, %sign3A_4 : i32
    %sign3A_6 = arith.constant 0 : i32
    %sign3A_7 = arith.cmpi sgt, %jit3A, %sign3A_6 : i32
    %sign3A_8 = arith.extui %sign3A_7 : i1 to i32
    %sign3A_9 = arith.constant 0 : i32
    %sign3A_10 = arith.cmpi slt, %jit3A, %sign3A_9 : i32
    %sign3A_11 = arith.extui %sign3A_10 : i1 to i32
    %sign3A_12 = arith.subi %sign3A_8, %sign3A_11 : i32
    %ne3A = arith.cmpi ne, %sign3A_5, %sign3A_12 : i32
    %rem3A = arith.remsi %arg0, %jit3A : i32
    %ne3A_13 = arith.constant 0 : i32
    %ne3A_14 = arith.cmpi ne, %rem3A, %ne3A_13 : i32
    %and3A = arith.andi %ne3A, %ne3A_14 : i1
    %sub3A = arith.constant 1 : i32
    %sub3A_15 = arith.subi %div3A, %sub3A : i32
    %select_n3A = arith.select %and3A, %sub3A_15, %div3A : i32
    %add3A = arith.constant 8 : i32
    %add3A_16 = arith.addi %add3A, %select_n3A : i32
    %jit3A_17 = arith.constant 1 : i32
    %eq3A = arith.constant 0 : i32
    %eq3A_18 = arith.cmpi eq, %jit3A_17, %eq3A : i32
    %jit3A_19 = arith.constant 1 : i32
    %select_n3A_20 = arith.select %eq3A_18, %jit3A_19, %jit3A_17 : i32
    %rem3A_21 = arith.remsi %arg0, %select_n3A_20 : i32
    %ne3A_22 = arith.constant 0 : i32
    %ne3A_23 = arith.cmpi ne, %rem3A_21, %ne3A_22 : i32
    %lt3A = arith.constant 0 : i32
    %lt3A_24 = arith.cmpi slt, %rem3A_21, %lt3A : i32
    %lt3A_25 = arith.constant 0 : i32
    %lt3A_26 = arith.cmpi slt, %select_n3A_20, %lt3A_25 : i32
    %ne3A_27 = arith.xori %lt3A_24, %lt3A_26 : i1
    %and3A_28 = arith.andi %ne3A_27, %ne3A_23 : i1
    %add3A_29 = arith.addi %rem3A_21, %select_n3A_20 : i32
    %select_n3A_30 = arith.select %and3A_28, %add3A_29, %rem3A_21 : i32
    %c0_i32 = arith.constant 0 : i32
    %c0_i32_31 = arith.constant 0 : i32
    return %add3A_16, %c0_i32, %select_n3A_30 : i32, i32, i32
  }
  func.func @transform_1(%arg0: i32) -> (i32, i32) {
    %c0_i32 = arith.constant 0 : i32
    %c0_i32_0 = arith.constant 0 : i32
    %c0_i32_1 = arith.constant 0 : i32
    return %c0_i32, %c0_i32_0 : i32, i32
  }
  func.func @transform_2(%arg0: i32) -> (i32, i32) {
    %c0_i32 = arith.constant 0 : i32
    %c0_i32_0 = arith.constant 0 : i32
    %c0_i32_1 = arith.constant 0 : i32
    return %c0_i32, %c0_i32_0 : i32, i32
  }
  func.func @transform_3(%arg0: i32) -> (i32, i32, i32) {
    %jit3A = arith.constant 1 : i32
    %div3A = arith.divsi %arg0, %jit3A : i32
    %sign3A = arith.constant 0 : i32
    %sign3A_0 = arith.cmpi sgt, %arg0, %sign3A : i32
    %sign3A_1 = arith.extui %sign3A_0 : i1 to i32
    %sign3A_2 = arith.constant 0 : i32
    %sign3A_3 = arith.cmpi slt, %arg0, %sign3A_2 : i32
    %sign3A_4 = arith.extui %sign3A_3 : i1 to i32
    %sign3A_5 = arith.subi %sign3A_1, %sign3A_4 : i32
    %sign3A_6 = arith.constant 0 : i32
    %sign3A_7 = arith.cmpi sgt, %jit3A, %sign3A_6 : i32
    %sign3A_8 = arith.extui %sign3A_7 : i1 to i32
    %sign3A_9 = arith.constant 0 : i32
    %sign3A_10 = arith.cmpi slt, %jit3A, %sign3A_9 : i32
    %sign3A_11 = arith.extui %sign3A_10 : i1 to i32
    %sign3A_12 = arith.subi %sign3A_8, %sign3A_11 : i32
    %ne3A = arith.cmpi ne, %sign3A_5, %sign3A_12 : i32
    %rem3A = arith.remsi %arg0, %jit3A : i32
    %ne3A_13 = arith.constant 0 : i32
    %ne3A_14 = arith.cmpi ne, %rem3A, %ne3A_13 : i32
    %and3A = arith.andi %ne3A, %ne3A_14 : i1
    %sub3A = arith.constant 1 : i32
    %sub3A_15 = arith.subi %div3A, %sub3A : i32
    %select_n3A = arith.select %and3A, %sub3A_15, %div3A : i32
    %jit3A_16 = arith.constant 1 : i32
    %eq3A = arith.constant 0 : i32
    %eq3A_17 = arith.cmpi eq, %jit3A_16, %eq3A : i32
    %jit3A_18 = arith.constant 1 : i32
    %select_n3A_19 = arith.select %eq3A_17, %jit3A_18, %jit3A_16 : i32
    %rem3A_20 = arith.remsi %arg0, %select_n3A_19 : i32
    %ne3A_21 = arith.constant 0 : i32
    %ne3A_22 = arith.cmpi ne, %rem3A_20, %ne3A_21 : i32
    %lt3A = arith.constant 0 : i32
    %lt3A_23 = arith.cmpi slt, %rem3A_20, %lt3A : i32
    %lt3A_24 = arith.constant 0 : i32
    %lt3A_25 = arith.cmpi slt, %select_n3A_19, %lt3A_24 : i32
    %ne3A_26 = arith.xori %lt3A_23, %lt3A_25 : i1
    %and3A_27 = arith.andi %ne3A_26, %ne3A_22 : i1
    %add3A = arith.addi %rem3A_20, %select_n3A_19 : i32
    %select_n3A_28 = arith.select %and3A_27, %add3A, %rem3A_20 : i32
    %c0_i32 = arith.constant 0 : i32
    %c0_i32_29 = arith.constant 0 : i32
    return %select_n3A, %c0_i32, %select_n3A_28 : i32, i32, i32
  }
  func.func @transform_4(%arg0: i32) -> (i32, i32, i32) {
    %jit3A = arith.constant 1 : i32
    %div3A = arith.divsi %arg0, %jit3A : i32
    %sign3A = arith.constant 0 : i32
    %sign3A_0 = arith.cmpi sgt, %arg0, %sign3A : i32
    %sign3A_1 = arith.extui %sign3A_0 : i1 to i32
    %sign3A_2 = arith.constant 0 : i32
    %sign3A_3 = arith.cmpi slt, %arg0, %sign3A_2 : i32
    %sign3A_4 = arith.extui %sign3A_3 : i1 to i32
    %sign3A_5 = arith.subi %sign3A_1, %sign3A_4 : i32
    %sign3A_6 = arith.constant 0 : i32
    %sign3A_7 = arith.cmpi sgt, %jit3A, %sign3A_6 : i32
    %sign3A_8 = arith.extui %sign3A_7 : i1 to i32
    %sign3A_9 = arith.constant 0 : i32
    %sign3A_10 = arith.cmpi slt, %jit3A, %sign3A_9 : i32
    %sign3A_11 = arith.extui %sign3A_10 : i1 to i32
    %sign3A_12 = arith.subi %sign3A_8, %sign3A_11 : i32
    %ne3A = arith.cmpi ne, %sign3A_5, %sign3A_12 : i32
    %rem3A = arith.remsi %arg0, %jit3A : i32
    %ne3A_13 = arith.constant 0 : i32
    %ne3A_14 = arith.cmpi ne, %rem3A, %ne3A_13 : i32
    %and3A = arith.andi %ne3A, %ne3A_14 : i1
    %sub3A = arith.constant 1 : i32
    %sub3A_15 = arith.subi %div3A, %sub3A : i32
    %select_n3A = arith.select %and3A, %sub3A_15, %div3A : i32
    %jit3A_16 = arith.constant 1 : i32
    %eq3A = arith.constant 0 : i32
    %eq3A_17 = arith.cmpi eq, %jit3A_16, %eq3A : i32
    %jit3A_18 = arith.constant 1 : i32
    %select_n3A_19 = arith.select %eq3A_17, %jit3A_18, %jit3A_16 : i32
    %rem3A_20 = arith.remsi %arg0, %select_n3A_19 : i32
    %ne3A_21 = arith.constant 0 : i32
    %ne3A_22 = arith.cmpi ne, %rem3A_20, %ne3A_21 : i32
    %lt3A = arith.constant 0 : i32
    %lt3A_23 = arith.cmpi slt, %rem3A_20, %lt3A : i32
    %lt3A_24 = arith.constant 0 : i32
    %lt3A_25 = arith.cmpi slt, %select_n3A_19, %lt3A_24 : i32
    %ne3A_26 = arith.xori %lt3A_23, %lt3A_25 : i1
    %and3A_27 = arith.andi %ne3A_26, %ne3A_22 : i1
    %add3A = arith.addi %rem3A_20, %select_n3A_19 : i32
    %select_n3A_28 = arith.select %and3A_27, %add3A, %rem3A_20 : i32
    %c0_i32 = arith.constant 0 : i32
    %c0_i32_29 = arith.constant 0 : i32
    return %select_n3A, %c0_i32, %select_n3A_28 : i32, i32, i32
  }
  func.func @transform_5(%arg0: i32) -> (i32, i32, i32) {
    %c0_i32 = arith.constant 0 : i32
    %c0_i32_0 = arith.constant 0 : i32
    %c0_i32_1 = arith.constant 0 : i32
    return %arg0, %c0_i32, %c0_i32_0 : i32, i32, i32
  }
}

</mosaic_0001>

<sc_bundles>
// kernel: kernel.5.cloned.1.call-start
scs
__scs_entry_jumppad:
0x0: {  	(pc) =	sbr.rel $0x88, $3  }
0x1: {  	(tag) =	ssettag $0x0;
	lr =	simm.s32 $0x1  }
0x2: {  	[smem:$0x3F9F] =	sst lr;
	_ =	strace $0xD0000000  }
0x3: {  	_ = 	snop  }
0x4: {  	_ = 	snop  }
0x5: {  	_ = 	snop  }
0x6: {  	_ = 	snop  }
0x7: {  	_ = 	snop  }
__scs_overlays_trampoline_lowered:
0x8: {  	[smem:$0x3FAE] =	sst s0  }
0x9: {  	[smem:$0x3FAF] =	sst s1  }
0xa: {  	[smem:$0x3FB0] =	sst s2  }
0xb: {  	[smem:$0x3FB1] =	sst s3  }
0xc: {  	[smem:$0x3FB2] =	sst s4  }
0xd: {  	[smem:$0x3FB3] =	sst s5  }
0xe: {  	[smem:$0x3FB4] =	sst s6  }
0xf: {  	[smem:$0x3FB5] =	sst s7  }
0x10: {  	[smem:$0x3FB6] =	sst s8  }
0x11: {  	[smem:$0x3FB7] =	sst s9;
	s0 =	simm.s32 @!p0 $0x0  }
0x12: {  	s1 =	sld [smem:$0x3F9D];
	s0 =	simm.s32 @p0 $0x1  }
0x13: {  	[smem:$0x3FB8] =	sst s0;
	s0 =	simm.s32 @!p1 $0x0  }
0x14: {  	s2 =	sld [smem:$0x3F9C];
	s0 =	simm.s32 @p1 $0x1  }
0x15: {  	[smem:$0x3FB9] =	sst s0;
	s0 =	simm.s32 @!p2 $0x0  }
0x16: {  	s3 =	sld [smem:$0x3FDB];
	s0 =	simm.s32 @p2 $0x1  }
0x17: {  	s4 =	simm.s32 $0x1BF5;
	[smem:$0x3FBB] =	sst s0  }
0x18: {  	s0 =	sld [smem:$0x3F9E];
	_ =	swait.ge [sflag:s4], $0x0  }
0x19: {  	s7 =	sld [smem:$0x3F9F]  }
0x1a: {  	s8 =	sadd.s32 $0xFFFFE003, lr  }
0x1b: {  	s9 =	sadd.s32 $0xFFFFFEF7, lr;
	s5 =	simm.s32 $0xFFFFFFFF;
	p2 =	slt.u32 s8, $0xFFFFF086  }
0x1c: {  	p1 =	slt.u32 s9, $0xF7A;
	s5 =	simm.s32 @!p2 $0x0  }
0x1d: {  	s5 =	simm.s32 @p1 $0x1;
	p0 =	seq.s32 s7, s2  }
0x1e: {  	s7 =	smul.u32 @!p0 $0xF7A, s2;
	p2 =	seq.s32 @!p0 s5, $0x0  }
0x1f: {  	s9 =	smul.u32 $0xF7A, s1;
	s8 =	simm.s32 @!p0 $0x1BF5;
	p2 =	por !p2, p0  }
0x20: {  	[sflag:s8] =	ssyncset.s32 @!p0 $0xFFFFF086;
	s6 =	sadd.s32 @!p0 s3, s7;
	s7 =	simm.s32 @!p0 $0x108  }
0x21: {  	s3 =	sadd.s32 s3, s9;
	s6 =	sadd.s32 @!p0 $0x88, s6;
	s7 =	simm.s32 @p2 $0x1082  }
0x22: {  	[simem:s7], [sflag:s8] =	dma.local @!p0 [hbm:s6], $0xF7A  }
0x23: {  	s9 =	sor.u32 $0xD0000000, s2;
	s6 =	simm.s32 $0x108;
	_ =	swait.ge @!p0 [sflag:s8], $0x0  }
0x24: {  	s3 =	sadd.s32 $0x88, s3;
	s6 =	simm.s32 @!p1 $0x1082;
	[sflag:s4] =	ssyncset.s32 $0xFFFFF086  }
0x25: {  	[simem:s6], [sflag:s4] =	dma.local [hbm:s3], $0xF7A  }
0x26: {  	[smem:$0x3F9F] =	sst s1;
	(tag) =	ssettag s2;
	_ =	strace s9  }
0x27: {  	s1 =	sld [smem:$0x3FAF]  }
0x28: {  	s2 =	sld [smem:$0x3FB0]  }
0x29: {  	s4 =	sld [smem:$0x3FB2]  }
0x2a: {  	p0 =	seq.s32 s5, $0x0;
	s5 =	sld [smem:$0x3FB3]  }
0x2b: {  	s6 =	sld [smem:$0x3FB4]  }
0x2c: {  	s7 =	sld [smem:$0x3FB5]  }
0x2d: {  	s3 =	simm.s32 $0x108;
	s8 =	sld [smem:$0x3FB6]  }
0x2e: {  	s3 =	simm.s32 @!p0 $0x1082;
	s9 =	sld [smem:$0x3FB7]  }
0x2f: {  	lr =	sadd.s32 s0, s3;
	s0 =	sld [smem:$0x3FAE]  }
0x30: {  	s3 =	sld [smem:$0x3FB1]  }
0x31: {  	[smem:$0x3FBA] =	sst s10  }
0x32: {  	s10 =	sld [smem:$0x3FB8];
	_ =	sdelay $0x3  }
0x33: {  	p0 =	seq.s32 s10, $0x1;
	s10 =	sld [smem:$0x3FBA];
	_ =	sdelay $0x3  }
0x34: {  	[smem:$0x3FBA] =	sst s10  }
0x35: {  	s10 =	sld [smem:$0x3FB9];
	_ =	sdelay $0x3  }
0x36: {  	p1 =	seq.s32 s10, $0x1;
	s10 =	sld [smem:$0x3FBA];
	_ =	sdelay $0x3  }
0x37: {  	[smem:$0x3FBA] =	sst s10  }
0x38: {  	s10 =	sld [smem:$0x3FBB]  }
0x39: {  	_ = 	snop;
	(pc) =	sbr.ind lr, $3  }
0x3a: {  	_ = 	snop  }
0x3b: {  	_ = 	snop  }
0x3c: {  	p2 =	seq.s32 s10, $0x1;
	s10 =	sld [smem:$0x3FBA]  }
0x3d: {  	_ =	shalt  }
0x3e: {  	_ =	shalt  }
0x3f: {  	_ =	shalt  }
0x40: {  	_ =	shalt  }
0x41: {  	_ =	shalt  }
0x42: {  	_ =	shalt  }
0x43: {  	_ =	shalt  }
0x44: {  	_ =	shalt  }
0x45: {  	_ =	shalt  }
0x46: {  	_ =	shalt  }
0x47: {  	_ =	shalt  }
0x48: {  	_ =	shalt  }
0x49: {  	_ =	shalt  }
0x4a: {  	_ =	shalt  }
0x4b: {  	_ =	shalt  }
0x4c: {  	_ =	shalt  }
0x4d: {  	_ =	shalt  }
0x4e: {  	_ =	shalt  }
0x4f: {  	_ =	shalt  }
0x50: {  	_ =	shalt  }
0x51: {  	_ =	shalt  }
0x52: {  	_ =	shalt  }
0x53: {  	_ =	shalt  }
0x54: {  	_ =	shalt  }
0x55: {  	_ =	shalt  }
0x56: {  	_ =	shalt  }
0x57: {  	_ =	shalt  }
0x58: {  	_ =	shalt  }
0x59: {  	_ =	shalt  }
0x5a: {  	_ =	shalt  }
0x5b: {  	_ =	shalt  }
0x5c: {  	_ =	shalt  }
0x5d: {  	_ =	shalt  }
0x5e: {  	_ =	shalt  }
0x5f: {  	_ =	shalt  }
0x60: {  	_ =	shalt  }
0x61: {  	_ =	shalt  }
0x62: {  	_ =	shalt  }
0x63: {  	_ =	shalt  }
0x64: {  	_ =	shalt  }
0x65: {  	_ =	shalt  }
0x66: {  	_ =	shalt  }
0x67: {  	_ =	shalt  }
0x68: {  	_ =	shalt  }
0x69: {  	_ =	shalt  }
0x6a: {  	_ =	shalt  }
0x6b: {  	_ =	shalt  }
0x6c: {  	_ =	shalt  }
0x6d: {  	_ =	shalt  }
0x6e: {  	_ =	shalt  }
0x6f: {  	_ =	shalt  }
0x70: {  	_ =	shalt  }
0x71: {  	_ =	shalt  }
0x72: {  	_ =	shalt  }
0x73: {  	_ =	shalt  }
0x74: {  	_ =	shalt  }
0x75: {  	_ =	shalt  }
0x76: {  	_ =	shalt  }
0x77: {  	_ =	shalt  }
0x78: {  	_ =	shalt  }
0x79: {  	_ =	shalt  }
0x7a: {  	_ =	shalt  }
0x7b: {  	_ =	shalt  }
0x7c: {  	_ =	shalt  }
0x7d: {  	_ =	shalt  }
0x7e: {  	_ =	shalt  }
0x7f: {  	_ =	shalt  }
0x80: {  	_ =	shalt  }
0x81: {  	_ =	shalt  }
0x82: {  	_ =	shalt  }
0x83: {  	_ =	shalt  }
0x84: {  	_ =	shalt  }
0x85: {  	_ =	shalt  }
0x86: {  	_ =	shalt  }
0x87: {  	_ =	shalt  }
.Lfunc_end0:
.L_simem_size_0:
called_computation_lowered:
.L_overlay_start_0:
0x88: {  	s2 =	sld [smem:$0x3FD9]  }
0x89: {  	s3 =	sld [smem:$0x3FFE];
	_ =	sdelay $0x1  }
0x8a: {  	s1 =	srdreg.scid  }
0x8b: {  	s0 =	sand.u32 $0x1, s1  }
0x8c: {  	s14 =	sshll.u32 s0, $0xA;
	s2 =	sadd.s32 s3, s2  }
0x8d: {  	s2 =	sadd.s32 s2, s14  }
0x8e: {  	[smem:$0x3FC6] =	sst s2  }
0x8f: {  	_ = 	snop  }
0x90: {  	s2 =	sld [smem:$0x3FD0];
	_ =	sdelay $0x2  }
0x91: {  	s4 =	simm.s32 $0xA;
	s5 =	simm.s32 $0x10;
	s15 =	sld [smem:$0x3FC8]  }
0x92: {  	[smem:s5], [sflag:s4] =	dma.local [hbm:s2], $0x1  }
0x93: {  	_ =	swait.eq [sflag:s4], $0x1  }
0x94: {  	[sflag:s4] =	ssyncset.done $0x0  }
0x95: {  	[sflag:s4] =	ssyncadd.s32 $0xFFFFFFFF  }
0x96: {  	s16 =	sld [smem:$0x10];
	(tm) =	ssettm $0x1  }
0x97: {  	s17 =	sld [smem:$0x3FFB];
	_ =	sdelay $0x3  }
0x98: {  	_ =	strace s17  }
0x99: {  	s4 =	sld [smem:$0x3FFC];
	_ =	sdelay $0x3  }
0x9a: {  	_ =	strace s4  }
0x9b: {  	s4 =	sld [smem:$0x3FFD];
	_ =	sdelay $0x3  }
0x9c: {  	_ =	strace s4  }
0x9d: {  	_ =	strace $0x8FFFFFFF  }
0x9e: {  	s18 =	sld [smem:$0x3FDB];
	_ =	sdelay $0x1  }
0x9f: {  	s19 =	simm.s32 $_scs_section_size  }
0xa0: {  	s6 =	simm.s32 $_size__tile_overlayer_lowered;
	s7 =	simm.s32 $_tile_overlayer_lowered  }
0xa1: {  	s22 =	simm.s32 $0x1BFF;
	s21 =	sshll.u32 s7, $0x1;
	s4 =	sadd.s32 s19, s18  }
0xa2: {  	s8 =	simm.s32 $0x0;
	s20 =	sshll.u32 s6, $0x1;
	s6 =	sadd.s32 s21, s4  }
0xa3: {  	[timem:s8], [sflag:s22] =	dma.local [hbm:s6], s20  }
0xa4: {  	_ =	swait.ge [sflag:s22], s20  }
0xa5: {  	s5 =	ssub.s32 $0x0, s20;
	[sflag:s22] =	ssyncset.done $0x0  }
0xa6: {  	[sflag:s22] =	ssyncadd.s32 s5;
	_ =	sdelay $0x1  }
0xa7: {  	s23 =	simm.s32 $0x1B8B  }
0xa8: {  	_ =	swait.ge [sflag:s23], $0x1  }
0xa9: {  	[sflag:s23] =	ssyncset.done $0x0  }
0xaa: {  	s25 =	simm.s32 $0x1B8E;
	s24 =	sld [smem:$0x3FFE];
	[sflag:s23] =	ssyncadd.s32 $0xFFFFFFFF  }
0xab: {  	s26 =	simm.s32 $execute0_lowered;
	[smem:$0x3FD2] =	sst s25  }
0xac: {  	s6 =	sshll.u32 s26, $0x1;
	_ =	strace $0x80000046;
	[dreg:$0x1] =	wrdreg $0xFFFFFFFF  }
0xad: {  	s28 =	simm.s32 $_size_execute0_lowered;
	s4 =	sadd.s32 s4, s6;
	[dreg:$0x0] =	wrdreg $0x0  }
0xae: {  	s6 =	sshll.u32 s28, $0x1;
	[dreg:$0x2] =	wrdreg s4  }
0xaf: {  	[dreg:$0x3] =	wrdreg s6  }
0xb0: {  	[dreg:$0x4] =	wrdreg $0xC0  }
0xb1: {  	_ =	task [dreg:s8], $0x5FFFF  }
0xb2: {  	[dreg:$0x1] =	wrdreg $0xFFFFFFFF  }
0xb3: {  	[dreg:$0x0] =	wrdreg $0x60  }
0xb4: {  	[dreg:$0x2] =	wrdreg s15  }
0xb5: {  	[dreg:$0x3] =	wrdreg s16  }
0xb6: {  	[dreg:$0x4] =	wrdreg s24  }
0xb7: {  	[dreg:$0x5] =	wrdreg $0x9  }
0xb8: {  	_ =	task.clear_ibuf [dreg:s8], $0x6FFFF;
	_ =	strace $0x90000046  }
0xb9: {  	s29 =	simm.s32 $0x9;
	_ =	strace $0x80000048  }
0xba: {  	_ =	swait.ge [sflag:s29], $0x1  }
0xbb: {  	[sflag:s29] =	ssyncadd.s32 $0xFFFFFFFF  }
0xbc: {  	_ =	strace $0x90000048  }
0xbd: {  	_ =	sfence  }
0xbe: {  	s30 =	sld [smem:$0x0];
	_ =	sdelay $0x2  }
0xbf: {  	s31 =	sshll.u32 s1, $0xD;
	s1 =	sshrl.u32 s1, $0x2  }
0xc0: {  	s3 =	sand.u32 $0x4000, s31;
	s1 =	sadd.s32 s1, s30  }
0xc1: {  	s0 =	sor.u32 s3, s0;
	s1 =	sshll.u32 s1, $0x11  }
0xc2: {  	s0 =	sor.u32 s1, s0  }
0xc3: {  	s0 =	sadd.s32 $0x8F2B, s0  }
0xc4: {  	[sflag:s0] =	ssyncadd.remote.s32 $0x1  }
0xc5: {  	_ =	sfence.sel $0xFFFF  }
0xc6: {  	[dreg:$0x0] =	wrdreg $0xFFFFFFFF;
	(pc) =	sbr.abs _section_cstart, $3  }
0xc7: {  	[dreg:$0x1] =	wrdreg $0xFFFFFFFF  }
0xc8: {  	_ =	task.clear_ibuf [dreg:s8], $0x2FFFF;
	_ =	strace $0x9FFFFFFF  }
0xc9: {  	(tm) =	ssettm $0x7FFFFFFF  }
tec
execute0_lowered:
.L_overlay_start_1:
0x0: {  	(tag) =	ssettag $0x1  }
0x1: {  	s4 =	rddreg [dreg:$0x0]  }
0x2: {  	s3 =	rddreg [dreg:$0x1]  }
0x3: {  	s5 =	rddreg [dreg:$0x2]  }
0x4: {  	s0 =	rddreg [dreg:$0x3];
	s2 =	simm.s32 $0x0;
	s1 =	stileid.u32  }
0x5: {  	s6 =	srdreg.scid;
	[smem:$0x7FF] =	sst s2;
	s7 =	sshrl.u32 s1, $0x1  }
0x6: {  	s6 =	sand.u32 $0x1, s6;
	s8 =	sshll.u32 s1, $0x1;
	_ =	strace $0x80000047  }
0x7: {  	s9 =	sshll.u32 s7, $0xD;
	s10 =	ssub.s32 $0x2, s6;
	s8 =	sand.u32 $0x2, s8  }
0x8: {  	s7 =	sshll.u32 s7, $0x7;
	s5 =	sadd.s32 s9, s5;
	s30 =	sshrl.u32 s10, $0x1  }
0x9: {  	s6 =	sor.u32 s6, s8;
	s3 =	sadd.s32 s3, s7;
	s7 =	simm.s32 $0x1  }
0xa: {  	s8 =	simm.s32 $0x400;
	s9 =	simm.s32 $0x4400;
	s6 =	sshll.u32 s6, $0xB  }
0xb: {  	s31 =	ssub.s32 s10, s30;
	s10 =	simm.s32 $0x0;
	s5 =	sadd.s32 s6, s5  }
0xc: {  	s4 =	sadd.s32 s4, s6;
	s6 =	smax.u32 s31, $0x1;
	s5 =	sadd.s32 $0x800, s5  }
.LBB2_1:
0xd: {  	[tilespmem:s2], [sflag:$0x1] =	stream.linear.gather [hbm4b:s3+s2], $0x400, $0x38;
	[tilespmem:$0x8400] =	vst v63  }
0xe: {  	_ =	swait.ge [sflag:s7], $0x400  }
0xf: {  	[sflag:s7] =	ssyncset.done $0x0  }
0x10: {  	[sflag:s7] =	ssyncadd.s32 $0xFFFFFC00  }
0x11: {  	[tilespmem:s8], [sflag:$0x1] =	stream.linear.gather [hbm4b:s4+s2], $0x4000, $0x38;
	[tilespmem:$0x8400] =	vst v63  }
0x12: {  	_ =	swait.ge [sflag:s7], $0x4000  }
0x13: {  	[sflag:s7] =	ssyncset.done $0x0  }
0x14: {  	[sflag:s7] =	ssyncadd.s32 $0xFFFFC000  }
0x15: {  	v0 =	vld [tilespmem:s2+$0x0];
	_ =	sdelay $0x4  }
0x16: {  	v1 =	vshll.u32 v0, $0x3  }
0x17: {  	v0 =	vand.u32 $0x7F, v0;
	v1 =	vand.u32 $0xFFFFFC00, v1  }
0x18: {  	v0 =	vor.u32 v0, v1;
	_ =	sdelay $0x4  }
0x19: {  	v1 =	vld.idx.msk [tilespmem:v0+s8+$0x0], $0xffff  }
0x1a: {  	v2 =	vor.u32 $0x80, v0;
	_ =	sdelay $0x1  }
0x1b: {  	s11 =	sand.u32 $0x70, s2;
	s12 =	sand.u32 $0x1C00, s2  }
0x1c: {  	s11 =	sor.u32 s11, s12  }
0x1d: {  	[tilespmem:s11+$0x4400] =	vst v1  }
0x1e: {  	v1 =	vld.idx.msk [tilespmem:v2+s8+$0x0], $0xffff  }
0x1f: {  	v2 =	vor.u32 $0x100, v0;
	_ =	sdelay $0x3  }
0x20: {  	[tilespmem:s11+$0x4480] =	vst v1  }
0x21: {  	v1 =	vld.idx.msk [tilespmem:v2+s8+$0x0], $0xffff  }
0x22: {  	v2 =	vor.u32 $0x180, v0;
	_ =	sdelay $0x3  }
0x23: {  	[tilespmem:s11+$0x4500] =	vst v1  }
0x24: {  	v1 =	vld.idx.msk [tilespmem:v2+s8+$0x0], $0xffff  }
0x25: {  	v2 =	vor.u32 $0x200, v0;
	_ =	sdelay $0x3  }
0x26: {  	[tilespmem:s11+$0x4580] =	vst v1  }
0x27: {  	v1 =	vld.idx.msk [tilespmem:v2+s8+$0x0], $0xffff  }
0x28: {  	v2 =	vor.u32 $0x280, v0;
	_ =	sdelay $0x3  }
0x29: {  	[tilespmem:s11+$0x4600] =	vst v1  }
0x2a: {  	v1 =	vld.idx.msk [tilespmem:v2+s8+$0x0], $0xffff  }
0x2b: {  	v2 =	vor.u32 $0x300, v0;
	_ =	sdelay $0x3  }
0x2c: {  	[tilespmem:s11+$0x4680] =	vst v1  }
0x2d: {  	v1 =	vld.idx.msk [tilespmem:v2+s8+$0x0], $0xffff  }
0x2e: {  	v2 =	vor.u32 $0x380, v0;
	_ =	sdelay $0x3  }
0x2f: {  	[tilespmem:s11+$0x4700] =	vst v1  }
0x30: {  	v1 =	vld.idx.msk [tilespmem:v2+s8+$0x0], $0xffff  }
0x31: {  	v2 =	vadd.s32 $0x2000, v0;
	_ =	sdelay $0x1  }
0x32: {  	s31 =	sor.u32 s2, s2  }
0x33: {  	s12 =	sor.u32 $0x380, s31  }
0x34: {  	[tilespmem:s12+$0x4400] =	vst v1  }
0x35: {  	v1 =	vld.idx.msk [tilespmem:v2+s8+$0x0], $0xffff  }
0x36: {  	v2 =	vadd.s32 $0x2080, v0;
	_ =	sdelay $0x3  }
0x37: {  	[tilespmem:s11+$0x6400] =	vst v1  }
0x38: {  	v1 =	vld.idx.msk [tilespmem:v2+s8+$0x0], $0xffff  }
0x39: {  	v2 =	vadd.s32 $0x2100, v0;
	_ =	sdelay $0x3  }
0x3a: {  	[tilespmem:s11+$0x6480] =	vst v1  }
0x3b: {  	v1 =	vld.idx.msk [tilespmem:v2+s8+$0x0], $0xffff  }
0x3c: {  	v2 =	vadd.s32 $0x2180, v0;
	_ =	sdelay $0x3  }
0x3d: {  	[tilespmem:s11+$0x6500] =	vst v1  }
0x3e: {  	v1 =	vld.idx.msk [tilespmem:v2+s8+$0x0], $0xffff  }
0x3f: {  	v2 =	vadd.s32 $0x2200, v0;
	_ =	sdelay $0x3  }
0x40: {  	[tilespmem:s11+$0x6580] =	vst v1  }
0x41: {  	v1 =	vld.idx.msk [tilespmem:v2+s8+$0x0], $0xffff  }
0x42: {  	v2 =	vadd.s32 $0x2280, v0;
	_ =	sdelay $0x3  }
0x43: {  	[tilespmem:s11+$0x6600] =	vst v1  }
0x44: {  	v1 =	vld.idx.msk [tilespmem:v2+s8+$0x0], $0xffff  }
0x45: {  	v2 =	vadd.s32 $0x2300, v0;
	_ =	sdelay $0x3  }
0x46: {  	[tilespmem:s11+$0x6680] =	vst v1  }
0x47: {  	v1 =	vld.idx.msk [tilespmem:v2+s8+$0x0], $0xffff  }
0x48: {  	v0 =	vadd.s32 $0x2380, v0;
	_ =	sdelay $0x3  }
0x49: {  	[tilespmem:s11+$0x6700] =	vst v1  }
0x4a: {  	s13 =	simm.s32 $0x0;
	s14 =	simm.s32 $0x0;
	s12 =	simm.s32 $0x10;
	v0 =	vld.idx.msk [tilespmem:v0+s8+$0x0], $0xffff  }
.LBB2_2:
0x4b: {  	_ =	sdelay $0x3  }
0x4c: {  	p0 =	sne.s32 s12, $0x3F0;
	s13 =	sadd.s32 $0x80, s13;
	s14 =	sadd.s32 $0x10, s14;
	[tilespmem:s11+$0x6780] =	vst v0  }
0x4d: {  	s15 =	smov.u32 s12;
	s12 =	sadd.s32 $0x10, s12;
	v0 =	vld [tilespmem:s14+$0x0];
	_ =	sdelay $0x4  }
0x4e: {  	v1 =	vshll.u32 v0, $0x3  }
0x4f: {  	v0 =	vand.u32 $0x7F, v0;
	v1 =	vand.u32 $0xFFFFFC00, v1  }
0x50: {  	v0 =	vor.u32 v0, v1;
	_ =	sdelay $0x4  }
0x51: {  	v1 =	vld.idx.msk [tilespmem:v0+s8+$0x0], $0xffff;
	_ =	sdelay $0x1  }
0x52: {  	v2 =	vor.u32 $0x80, v0;
	_ =	sdelay $0x1  }
0x53: {  	s16 =	sand.u32 $0x1C00, s13;
	s11 =	sand.u32 $0x70, s15  }
0x54: {  	s11 =	sor.u32 s11, s16  }
0x55: {  	[tilespmem:s11+$0x4400] =	vst v1  }
0x56: {  	v1 =	vld.idx.msk [tilespmem:v2+s8+$0x0], $0xffff;
	_ =	sdelay $0x1  }
0x57: {  	v2 =	vor.u32 $0x100, v0;
	_ =	sdelay $0x3  }
0x58: {  	[tilespmem:s11+$0x4480] =	vst v1  }
0x59: {  	v1 =	vld.idx.msk [tilespmem:v2+s8+$0x0], $0xffff;
	_ =	sdelay $0x1  }
0x5a: {  	v2 =	vor.u32 $0x180, v0;
	_ =	sdelay $0x3  }
0x5b: {  	[tilespmem:s11+$0x4500] =	vst v1  }
0x5c: {  	v1 =	vld.idx.msk [tilespmem:v2+s8+$0x0], $0xffff;
	_ =	sdelay $0x1  }
0x5d: {  	v2 =	vor.u32 $0x200, v0;
	_ =	sdelay $0x3  }
0x5e: {  	[tilespmem:s11+$0x4580] =	vst v1  }
0x5f: {  	v1 =	vld.idx.msk [tilespmem:v2+s8+$0x0], $0xffff;
	_ =	sdelay $0x1  }
0x60: {  	v2 =	vor.u32 $0x280, v0;
	_ =	sdelay $0x3  }
0x61: {  	[tilespmem:s11+$0x4600] =	vst v1  }
0x62: {  	v1 =	vld.idx.msk [tilespmem:v2+s8+$0x0], $0xffff;
	_ =	sdelay $0x1  }
0x63: {  	v2 =	vor.u32 $0x300, v0;
	_ =	sdelay $0x3  }
0x64: {  	[tilespmem:s11+$0x4680] =	vst v1  }
0x65: {  	v1 =	vld.idx.msk [tilespmem:v2+s8+$0x0], $0xffff;
	_ =	sdelay $0x1  }
0x66: {  	v2 =	vor.u32 $0x380, v0;
	_ =	sdelay $0x3  }
0x67: {  	[tilespmem:s11+$0x4700] =	vst v1  }
0x68: {  	v1 =	vld.idx.msk [tilespmem:v2+s8+$0x0], $0xffff;
	_ =	sdelay $0x1  }
0x69: {  	v2 =	vadd.s32 $0x2000, v0;
	_ =	sdelay $0x1  }
0x6a: {  	s15 =	sor.u32 s13, s15  }
0x6b: {  	s15 =	sor.u32 $0x380, s15  }
0x6c: {  	[tilespmem:s15+$0x4400] =	vst v1  }
0x6d: {  	v1 =	vld.idx.msk [tilespmem:v2+s8+$0x0], $0xffff;
	_ =	sdelay $0x1  }
0x6e: {  	v2 =	vadd.s32 $0x2080, v0;
	_ =	sdelay $0x3  }
0x6f: {  	[tilespmem:s11+$0x6400] =	vst v1  }
0x70: {  	v1 =	vld.idx.msk [tilespmem:v2+s8+$0x0], $0xffff;
	_ =	sdelay $0x1  }
0x71: {  	v2 =	vadd.s32 $0x2100, v0;
	_ =	sdelay $0x3  }
0x72: {  	[tilespmem:s11+$0x6480] =	vst v1  }
0x73: {  	v1 =	vld.idx.msk [tilespmem:v2+s8+$0x0], $0xffff;
	_ =	sdelay $0x1  }
0x74: {  	v2 =	vadd.s32 $0x2180, v0;
	_ =	sdelay $0x3  }
0x75: {  	[tilespmem:s11+$0x6500] =	vst v1  }
0x76: {  	v1 =	vld.idx.msk [tilespmem:v2+s8+$0x0], $0xffff;
	_ =	sdelay $0x1  }
0x77: {  	v2 =	vadd.s32 $0x2200, v0;
	_ =	sdelay $0x3  }
0x78: {  	[tilespmem:s11+$0x6580] =	vst v1  }
0x79: {  	v1 =	vld.idx.msk [tilespmem:v2+s8+$0x0], $0xffff;
	_ =	sdelay $0x1  }
0x7a: {  	v2 =	vadd.s32 $0x2280, v0;
	_ =	sdelay $0x3  }
0x7b: {  	[tilespmem:s11+$0x6600] =	vst v1  }
0x7c: {  	v1 =	vld.idx.msk [tilespmem:v2+s8+$0x0], $0xffff;
	_ =	sdelay $0x1  }
0x7d: {  	v2 =	vadd.s32 $0x2300, v0;
	_ =	sdelay $0x3  }
0x7e: {  	[tilespmem:s11+$0x6680] =	vst v1  }
0x7f: {  	v1 =	vld.idx.msk [tilespmem:v2+s8+$0x0], $0xffff;
	_ =	sdelay $0x1  }
0x80: {  	v0 =	vadd.s32 $0x2380, v0  }
.Ltmp0:
0x81: {  	(pc) =	sbr.rel @p0 .LBB2_2-.Ltmp0, $3  }
0x82: {  	_ =	sdelay $0x1  }
0x83: {  	[tilespmem:s11+$0x6700] =	vst v1  }
0x84: {  	v0 =	vld.idx.msk [tilespmem:v0+s8+$0x0], $0xffff  }
0x85: {  	_ =	sdelay $0x1  }
0x86: {  	s10 =	sadd.s32 $0x1, s10  }
0x87: {  	p0 =	sne.s32 s10, s6  }
.Ltmp1:
0x88: {  	[tilespmem:s11+$0x6780] =	vst v0;
	(pc) =	sbr.rel @p0 .LBB2_1-.Ltmp1, $4  }
0x89: {  	[hbm4b:s5+s2] =	stream.linear.scatter [tilespmem:s9], [sflag:$0x1], $0x4000, $0x38;
	[tilespmem:$0x8400] =	vst v63  }
0x8a: {  	_ =	swait.ge [sflag:s7], $0x4000  }
0x8b: {  	[sflag:s7] =	ssyncset.done $0x0  }
0x8c: {  	[sflag:s7] =	ssyncadd.s32 $0xFFFFC000  }
0x8d: {  	_ =	sfence.sel $0x180000  }
0x8e: {  	[bflag:$0x0] =	sbarrier.arrive $0xFFFF  }
0x8f: {  	p0 =	sne.s32 s1, $0x0;
	_ =	strace $0x90000047  }
0x90: {  	s0 =	sadd.s32 @!p0 $0x100000, s0;
	[bflag:$0x2] =	sbarrier.arrive $0xFFFF  }
0x91: {  	[sflag:s0] =	ssyncadd.tile.s32 @!p0 $0x1;
	_ =	shalt  }
.Lfunc_end2:
_tile_overlayer_lowered:
.L_overlay_start_2:
0x92: {  	(tag) =	ssettag $0x2  }
0x93: {  	s0 =	rddreg [dreg:$0x0];
	s2 =	stileid.u32  }
0x94: {  	s1 =	rddreg [dreg:$0x1];
	p0 =	sne.s32 s2, $0x0  }
0x95: {  	s3 =	rddreg [dreg:$0x2];
	[bflag:$0x3] =	sbarrier.arrive $0xFFFF;
	s2 =	simm.s32 @!p0 $0x1C01  }
0x96: {  	[timem:s3], [sflag:s2] =	dma.local @!p0 [hbm:s0], s1  }
0x97: {  	s0 =	simm.s32 @!p0 $0x1  }
0x98: {  	_ =	swait.ge @!p0 [sflag:s0], s1  }
0x99: {  	s1 =	ssub.s32 @!p0 $0x0, s1;
	[sflag:s0] =	ssyncset.done @!p0 $0x0  }
0x9a: {  	[sflag:s0] =	ssyncadd.s32 @!p0 s1  }
0x9b: {  	[bflag:$0x3] =	sbarrier.arrive $0xFFFF  }
0x9c: {  	_ =	shalt  }

</sc_bundles>
